<compile_context>
chip_gen: v7x
topology: tpu7x:2x2x1
jax: 0.10.2.dev20260603
libtpu: 0.0.44.dev20260713+nightly
codegen_flags: <defaults>
</compile_context>

<pallas_src>
import functools

import jax
import jax.numpy as jnp
from jax import lax
from jax.experimental import pallas as pl
from jax.experimental.pallas import tpu as pltpu
from jax.experimental.pallas import tpu_sc as plsc

N = 10000
E = 320000
HD1 = 128
HD2 = 64

NC = 2
NS = 16
NW = NC * NS
EPW = E // NW
CHUNK = 80
NCHUNK = EPW // CHUNK
RPT = 624
RTAIL = N - NS * RPT

ROW_BLK = 1000


def _att_body(x_ref, w1_ref, w2_ref, wg_ref, out_ref):
    x = x_ref[...]
    a = jnp.maximum(
        lax.dot_general(x, w1_ref[...], (((1,), (0,)), ((), ())),
                        preferred_element_type=jnp.float32), 0.0)
    s = lax.dot_general(a, w2_ref[...], (((1,), (0,)), ((), ())),
                        preferred_element_type=jnp.float32)
    s = s - jnp.max(s, axis=1, keepdims=True)
    e = jnp.exp(s)
    z = x * (e / jnp.sum(e, axis=1, keepdims=True))
    out_ref[...] = lax.dot_general(z, wg_ref[...], (((1,), (0,)), ((), ())),
                                   preferred_element_type=jnp.float32)


def _attention_support(x, w1, w2, wg):
    return pl.pallas_call(
        _att_body,
        grid=(N // ROW_BLK,),
        in_specs=[
            pl.BlockSpec((ROW_BLK, HD2), lambda i: (i, 0)),
            pl.BlockSpec((HD2, HD1), lambda i: (0, 0)),
            pl.BlockSpec((HD1, HD2), lambda i: (0, 0)),
            pl.BlockSpec((HD2, HD1), lambda i: (0, 0)),
        ],
        out_specs=pl.BlockSpec((ROW_BLK, HD1), lambda i: (i, 0)),
        out_shape=jax.ShapeDtypeStruct((N, HD1), jnp.float32),
    )(x, w1, w2, wg)


def _segsum_body(support_hbm, src_hbm, dst_hbm, zeros_hbm, out_hbm,
                 src_v, dst_v, rows_a, rows_b, agg_s, sem_ga, sem_gb):
    cid = lax.axis_index("c")
    sid = lax.axis_index("s")
    wid = sid * NC + cid

    def _gather_desc(j, buf, sem):
        return pltpu.make_async_copy(
            support_hbm.at[src_v.at[pl.ds(j * CHUNK, CHUNK)]], buf, sem)

    def _gather(j, buf, sem):
        _gather_desc(j, buf, sem).start()

    def _gather_wait(j, buf, sem):
        _gather_desc(j, buf, sem).wait()

    pltpu.sync_copy(src_hbm.at[wid], src_v)
    _gather(0, rows_a, sem_ga)
    _gather(1, rows_b, sem_gb)

    pltpu.sync_copy(zeros_hbm.at[pl.ds(sid * RPT, RPT)],
                    agg_s.at[pl.ds(sid * RPT, RPT)])

    @pl.when(sid == NS - 1)
    def _zero_tail():
        pltpu.sync_copy(zeros_hbm.at[pl.ds(NS * RPT, RTAIL)],
                        agg_s.at[pl.ds(NS * RPT, RTAIL)])

    pltpu.sync_copy(dst_hbm.at[wid], dst_v)
    plsc.subcore_barrier()


    @pl.loop(0, (NCHUNK - 3) // 2)
    def _edge_pair(i):
        j = 2 * i
        _gather_wait(j, rows_a, sem_ga)
        pltpu.sync_copy(rows_a, agg_s.at[dst_v.at[j]], add=True)
        _gather(j + 2, rows_a, sem_ga)
        _gather_wait(j + 1, rows_b, sem_gb)
        pltpu.sync_copy(rows_b, agg_s.at[dst_v.at[j + 1]], add=True)
        _gather(j + 3, rows_b, sem_gb)

    _gather_wait(NCHUNK - 3, rows_a, sem_ga)
    pltpu.sync_copy(rows_a, agg_s.at[dst_v.at[NCHUNK - 3]], add=True)
    _gather(NCHUNK - 1, rows_a, sem_ga)
    _gather_wait(NCHUNK - 2, rows_b, sem_gb)
    pltpu.sync_copy(rows_b, agg_s.at[dst_v.at[NCHUNK - 2]], add=True)
    _gather_wait(NCHUNK - 1, rows_a, sem_ga)
    pltpu.sync_copy(rows_a, agg_s.at[dst_v.at[NCHUNK - 1]], add=True)

    plsc.subcore_barrier()
    pltpu.sync_copy(agg_s.at[pl.ds(sid * RPT, RPT)],
                    out_hbm.at[cid, pl.ds(sid * RPT, RPT)])

    @pl.when(sid == NS - 1)
    def _out_tail():
        pltpu.sync_copy(agg_s.at[pl.ds(NS * RPT, RTAIL)],
                        out_hbm.at[cid, pl.ds(NS * RPT, RTAIL)])


@functools.cache
def _build_segsum():
    return pl.kernel(
        _segsum_body,
        mesh=plsc.VectorSubcoreMesh(core_axis_name="c", subcore_axis_name="s"),
        out_type=jax.ShapeDtypeStruct((NC, N, HD1), jnp.float32),
        scratch_types=[
            pltpu.VMEM((EPW,), jnp.int32),
            pltpu.VMEM((NCHUNK, CHUNK), jnp.int32),
            pltpu.VMEM((CHUNK, HD1), jnp.float32),
            pltpu.VMEM((CHUNK, HD1), jnp.float32),
            pltpu.VMEM_SHARED((N, HD1), jnp.float32),
            pltpu.SemaphoreType.DMA,
            pltpu.SemaphoreType.DMA,
        ],
    )


MM_BLK = 200


def _bn_gram_body(p_ref, g_ref, b_ref, o_ref, h_scr):
    i = pl.program_id(0)

    @pl.when(i == 0)
    def _stats():
        h = jnp.maximum(p_ref[0] + p_ref[1], 0.0)
        mean = jnp.mean(h, axis=0, keepdims=True)
        var = jnp.mean(jnp.square(h - mean), axis=0, keepdims=True)
        inv = lax.rsqrt(var + 1e-5)
        h_scr[...] = (h - mean) * inv * g_ref[...] + b_ref[...]

    a = h_scr[pl.ds(i * MM_BLK, MM_BLK), :]
    o_ref[...] = lax.dot_general(a, h_scr[...], (((1,), (1,)), ((), ())),
                                 preferred_element_type=jnp.float32)


def _bn_gram(partials, gamma, beta):
    return pl.pallas_call(
        _bn_gram_body,
        grid=(N // MM_BLK,),
        in_specs=[
            pl.BlockSpec((NC, N, HD1), lambda i: (0, 0, 0)),
            pl.BlockSpec((1, HD1), lambda i: (0, 0)),
            pl.BlockSpec((1, HD1), lambda i: (0, 0)),
        ],
        out_specs=pl.BlockSpec((MM_BLK, N), lambda i: (i, 0)),
        out_shape=jax.ShapeDtypeStruct((N, N), jnp.float32),
        scratch_shapes=[pltpu.VMEM((N, HD1), jnp.float32)],
    )(partials, gamma.reshape(1, HD1), beta.reshape(1, HD1))


def kernel(encoder_layer_2, adj, W_att1, W_att2, W_gcn, bn_gamma, bn_beta):
    support = _attention_support(encoder_layer_2, W_att1, W_att2, W_gcn)
    src = adj[1].astype(jnp.int32).reshape(NW, EPW)
    dst = adj[0].astype(jnp.int32).reshape(NW, NCHUNK, CHUNK)
    zeros = jnp.zeros((N, HD1), jnp.float32)
    partials = _build_segsum()(support, src, dst, zeros)
    return _bn_gram(partials, bn_gamma, bn_beta)

# --- scband reference (transcript-rebuilt; emitter-appended) ---
"""Pipeline reference for scband-gcnmodel-fea-att-scat-structure-only-vae-481036337863 (READ-ONLY COPY).

The authoritative reference and input builder live on the scoring server;
editing this copy changes nothing except your own understanding.
"""

import jax, jax.numpy as jnp
import numpy as np

N = 10000
E = 320000
HD1 = 128
HD2 = 64


def setup_inputs(seed: int = 0) -> dict:
    key = jax.random.key(seed)
    k1, k2, k3, k4, k5, k6 = jax.random.split(key, 6)
    encoder_layer_2 = jax.random.normal(k1, (N, HD2), dtype=jnp.float32)
    adj = jax.random.randint(k2, (2, E), 0, N, dtype=jnp.int64)
    W_att1 = jax.random.normal(k3, (HD2, HD1), dtype=jnp.float32) * 0.05
    W_att2 = jax.random.normal(k4, (HD1, HD2), dtype=jnp.float32) * 0.05
    W_gcn = jax.random.normal(k5, (HD2, HD1), dtype=jnp.float32) * 0.05
    bn_gamma = jnp.ones((HD1,), dtype=jnp.float32)
    bn_beta = jnp.zeros((HD1,), dtype=jnp.float32)
    return {"encoder_layer_2": encoder_layer_2, "adj": adj, "W_att1": W_att1, "W_att2": W_att2, "W_gcn": W_gcn, "bn_gamma": bn_gamma, "bn_beta": bn_beta}


def reference(encoder_layer_2, adj, W_att1, W_att2, W_gcn, bn_gamma, bn_beta):
    # feature_attention
    att_base = jax.nn.relu(encoder_layer_2 @ W_att1)
    att_score = jax.nn.softmax(att_base @ W_att2, axis=1)
    z = encoder_layer_2 * att_score
    # GraphConvolutionLayer(hidden_dim2 -> hidden_dim1), act=relu; dropout=0 (eval)
    support = z @ W_gcn
    src = adj[1]
    dst = adj[0]
    agg = jax.ops.segment_sum(support[src], dst, num_segments=N)
    h = jax.nn.relu(agg)
    # BatchNorm1d (batch statistics, eps=1e-5)
    mean = jnp.mean(h, axis=0)
    var = jnp.var(h, axis=0)
    h_norm = (h - mean) / jnp.sqrt(var + 1e-5)
    h_bn = h_norm * bn_gamma + bn_beta
    # InnerProductLayer, act=identity, dropout=0 (eval)
    out = h_bn @ h_bn.T
    return out

if __name__ == "__main__":
    import jax
    _d = setup_inputs()
    print(jax.jit(kernel)(*tuple(_d.values())))

</pallas_src>

<mosaic_0001>
#map = affine_map<(d0, d1) -> (0, 0)>
#map1 = affine_map<(d0, d1) -> (0, 0, 0)>
module attributes {stable_mosaic.version = 14 : i64} {
  func.func @_segsum_body(%arg0: i32, %arg1: i32, %arg2: memref<10000x128xf32, #tpu.memory_space<hbm>>, %arg3: memref<32x10000xi32, #tpu.memory_space<hbm>>, %arg4: memref<32x125x80xi32, #tpu.memory_space<hbm>>, %arg5: memref<10000x128xf32, #tpu.memory_space<hbm>>, %arg6: memref<2x10000x128xf32, #tpu.memory_space<hbm>>, %arg7: memref<10000xi32, #tpu.memory_space<vmem>>, %arg8: memref<125x80xi32, #tpu.memory_space<vmem>>, %arg9: memref<80x128xf32, #tpu.memory_space<vmem>>, %arg10: memref<80x128xf32, #tpu.memory_space<vmem>>, %arg11: memref<10000x128xf32, #tpu.memory_space<vmem_shared>>, %arg12: memref<!tpu.dma_semaphore, #tpu.memory_space<semaphore_mem>>, %arg13: memref<!tpu.dma_semaphore, #tpu.memory_space<semaphore_mem>>) attributes {dimension_semantics = [#tpu.dimension_semantics<core_parallel>, #tpu.dimension_semantics<subcore_parallel>], iteration_bounds = array<i64: 2, 16>, scalar_prefetch = 0 : i64, scratch_operands = 7 : i64, tpu.core_type = #tpu.core_type<sc_vector_subcore>, window_params = [{transform_indices = #map}, {transform_indices = #map}, {transform_indices = #map1}, {transform_indices = #map}, {transform_indices = #map1}]} {
    %mul3A = arith.constant 2 : i32
    %mul3A_0 = arith.muli %arg1, %mul3A : i32
    %add3A = arith.addi %mul3A_0, %arg0 : i32
    "tpu.region"() ({
      %run_scoped3A_51 = tpu.sem_alloc : memref<!tpu.dma_semaphore, #tpu.memory_space<semaphore_mem>>
      %dma_start3A_52 = arith.constant 0 : i32
      %dma_start3A_53 = tpu.memref_slice %arg3[%add3A, %dma_start3A_52] : memref<32x10000xi32, #tpu.memory_space<hbm>> -> memref<1x10000xi32, #tpu.memory_space<hbm>>
      %dma_start3A_54 = tpu.memref_squeeze %dma_start3A_53 : memref<1x10000xi32, #tpu.memory_space<hbm>> -> memref<10000xi32, #tpu.memory_space<hbm>>
      %dma_start3A_55 = arith.constant 0 : i32
      %dma_start3A_56 = tpu.memref_slice %arg3[%add3A, %dma_start3A_55] : memref<32x10000xi32, #tpu.memory_space<hbm>> -> memref<1x10000xi32, #tpu.memory_space<hbm>>
      %dma_start3A_57 = tpu.memref_squeeze %dma_start3A_56 : memref<1x10000xi32, #tpu.memory_space<hbm>> -> memref<10000xi32, #tpu.memory_space<hbm>>
      tpu.enqueue_dma source(%dma_start3A_57 : memref<10000xi32, #tpu.memory_space<hbm>>) target(%arg7 : memref<10000xi32, #tpu.memory_space<vmem>>) target_semaphore(%run_scoped3A_51 : memref<!tpu.dma_semaphore, #tpu.memory_space<semaphore_mem>>)
      %dma_wait3A_58 = arith.constant 0 : i32
      %dma_wait3A_59 = tpu.memref_slice %arg3[%add3A, %dma_wait3A_58] : memref<32x10000xi32, #tpu.memory_space<hbm>> -> memref<1x10000xi32, #tpu.memory_space<hbm>>
      %dma_wait3A_60 = tpu.memref_squeeze %dma_wait3A_59 : memref<1x10000xi32, #tpu.memory_space<hbm>> -> memref<10000xi32, #tpu.memory_space<hbm>>
      %dma_wait3A_61 = arith.constant 0 : i32
      %dma_wait3A_62 = tpu.memref_slice %arg3[%add3A, %dma_wait3A_61] : memref<32x10000xi32, #tpu.memory_space<hbm>> -> memref<1x10000xi32, #tpu.memory_space<hbm>>
      %dma_wait3A_63 = tpu.memref_squeeze %dma_wait3A_62 : memref<1x10000xi32, #tpu.memory_space<hbm>> -> memref<10000xi32, #tpu.memory_space<hbm>>
      tpu.wait_dma2 semaphore(%run_scoped3A_51 : memref<!tpu.dma_semaphore, #tpu.memory_space<semaphore_mem>>) src(%dma_wait3A_63 : memref<10000xi32, #tpu.memory_space<hbm>>) dst(%arg7 : memref<10000xi32, #tpu.memory_space<vmem>>)
      tpu.yield
    }) : () -> ()
    %dma_start3A = arith.constant 0 : i32
    %dma_start3A_1 = tpu.memref_slice %arg7[%dma_start3A] : memref<10000xi32, #tpu.memory_space<vmem>> -> memref<80xi32, #tpu.memory_space<vmem>>
    %dma_start3A_2 = arith.constant 0 : i32
    %dma_start3A_3 = arith.constant 0 : i32
    %dma_start3A_4 = tpu.memref_slice %arg2[%dma_start3A_2, %dma_start3A_3] : memref<10000x128xf32, #tpu.memory_space<hbm>> -> memref<10000x128xf32, #tpu.memory_space<hbm>>
    tpu.enqueue_indirect_dma source(%dma_start3A_4 : memref<10000x128xf32, #tpu.memory_space<hbm>>) target(%arg9 : memref<80x128xf32, #tpu.memory_space<vmem>>) offsets(%dma_start3A_1 : memref<80xi32, #tpu.memory_space<vmem>>) semaphore(%arg12 : memref<!tpu.dma_semaphore, #tpu.memory_space<semaphore_mem>>)
    %dma_start3A_5 = arith.constant 80 : i32
    %dma_start3A_6 = tpu.memref_slice %arg7[%dma_start3A_5] : memref<10000xi32, #tpu.memory_space<vmem>> -> memref<80xi32, #tpu.memory_space<vmem>>
    %dma_start3A_7 = arith.constant 0 : i32
    %dma_start3A_8 = arith.constant 0 : i32
    %dma_start3A_9 = tpu.memref_slice %arg2[%dma_start3A_7, %dma_start3A_8] : memref<10000x128xf32, #tpu.memory_space<hbm>> -> memref<10000x128xf32, #tpu.memory_space<hbm>>
    tpu.enqueue_indirect_dma source(%dma_start3A_9 : memref<10000x128xf32, #tpu.memory_space<hbm>>) target(%arg10 : memref<80x128xf32, #tpu.memory_space<vmem>>) offsets(%dma_start3A_6 : memref<80xi32, #tpu.memory_space<vmem>>) semaphore(%arg13 : memref<!tpu.dma_semaphore, #tpu.memory_space<semaphore_mem>>)
    %mul3A_10 = arith.constant 624 : i32
    %mul3A_11 = arith.muli %arg1, %mul3A_10 : i32
    %mul3A_12 = arith.constant 624 : i32
    %mul3A_13 = arith.muli %arg1, %mul3A_12 : i32
    "tpu.region"() ({
      %run_scoped3A_51 = tpu.sem_alloc : memref<!tpu.dma_semaphore, #tpu.memory_space<semaphore_mem>>
      %dma_start3A_52 = arith.constant 0 : i32
      %dma_start3A_53 = tpu.memref_slice %arg11[%mul3A_13, %dma_start3A_52] : memref<10000x128xf32, #tpu.memory_space<vmem_shared>> -> memref<624x128xf32, #tpu.memory_space<vmem_shared>>
      %dma_start3A_54 = arith.constant 0 : i32
      %dma_start3A_55 = tpu.memref_slice %arg5[%mul3A_11, %dma_start3A_54] : memref<10000x128xf32, #tpu.memory_space<hbm>> -> memref<624x128xf32, #tpu.memory_space<hbm>>
      tpu.enqueue_dma source(%dma_start3A_55 : memref<624x128xf32, #tpu.memory_space<hbm>>) target(%dma_start3A_53 : memref<624x128xf32, #tpu.memory_space<vmem_shared>>) target_semaphore(%run_scoped3A_51 : memref<!tpu.dma_semaphore, #tpu.memory_space<semaphore_mem>>)
      %dma_wait3A_56 = arith.constant 0 : i32
      %dma_wait3A_57 = tpu.memref_slice %arg11[%mul3A_13, %dma_wait3A_56] : memref<10000x128xf32, #tpu.memory_space<vmem_shared>> -> memref<624x128xf32, #tpu.memory_space<vmem_shared>>
      %dma_wait3A_58 = arith.constant 0 : i32
      %dma_wait3A_59 = tpu.memref_slice %arg5[%mul3A_11, %dma_wait3A_58] : memref<10000x128xf32, #tpu.memory_space<hbm>> -> memref<624x128xf32, #tpu.memory_space<hbm>>
      tpu.wait_dma2 semaphore(%run_scoped3A_51 : memref<!tpu.dma_semaphore, #tpu.memory_space<semaphore_mem>>) src(%dma_wait3A_59 : memref<624x128xf32, #tpu.memory_space<hbm>>) dst(%dma_wait3A_57 : memref<624x128xf32, #tpu.memory_space<vmem_shared>>)
      tpu.yield
    }) : () -> ()
    %eq3A = arith.constant 15 : i32
    %eq3A_14 = arith.cmpi eq, %arg1, %eq3A : i32
    %convert_element_type3A = arith.extui %eq3A_14 : i1 to i32
    %cond3A = arith.constant 0 : i32
    %cond3A_15 = arith.cmpi ne, %convert_element_type3A, %cond3A : i32
    scf.if %cond3A_15 {
      "tpu.region"() ({
        %run_scoped3A_51 = tpu.sem_alloc : memref<!tpu.dma_semaphore, #tpu.memory_space<semaphore_mem>>
        %dma_start3A_52 = arith.constant 9984 : i32
        %dma_start3A_53 = arith.constant 0 : i32
        %dma_start3A_54 = tpu.memref_slice %arg11[%dma_start3A_52, %dma_start3A_53] : memref<10000x128xf32, #tpu.memory_space<vmem_shared>> -> memref<16x128xf32, #tpu.memory_space<vmem_shared>>
        %dma_start3A_55 = arith.constant 9984 : i32
        %dma_start3A_56 = arith.constant 0 : i32
        %dma_start3A_57 = tpu.memref_slice %arg5[%dma_start3A_55, %dma_start3A_56] : memref<10000x128xf32, #tpu.memory_space<hbm>> -> memref<16x128xf32, #tpu.memory_space<hbm>>
        tpu.enqueue_dma source(%dma_start3A_57 : memref<16x128xf32, #tpu.memory_space<hbm>>) target(%dma_start3A_54 : memref<16x128xf32, #tpu.memory_space<vmem_shared>>) target_semaphore(%run_scoped3A_51 : memref<!tpu.dma_semaphore, #tpu.memory_space<semaphore_mem>>)
        %dma_wait3A_58 = arith.constant 9984 : i32
        %dma_wait3A_59 = arith.constant 0 : i32
        %dma_wait3A_60 = tpu.memref_slice %arg11[%dma_wait3A_58, %dma_wait3A_59] : memref<10000x128xf32, #tpu.memory_space<vmem_shared>> -> memref<16x128xf32, #tpu.memory_space<vmem_shared>>
        %dma_wait3A_61 = arith.constant 9984 : i32
        %dma_wait3A_62 = arith.constant 0 : i32
        %dma_wait3A_63 = tpu.memref_slice %arg5[%dma_wait3A_61, %dma_wait3A_62] : memref<10000x128xf32, #tpu.memory_space<hbm>> -> memref<16x128xf32, #tpu.memory_space<hbm>>
        tpu.wait_dma2 semaphore(%run_scoped3A_51 : memref<!tpu.dma_semaphore, #tpu.memory_space<semaphore_mem>>) src(%dma_wait3A_63 : memref<16x128xf32, #tpu.memory_space<hbm>>) dst(%dma_wait3A_60 : memref<16x128xf32, #tpu.memory_space<vmem_shared>>)
        tpu.yield
      }) : () -> ()
    } else {
    }
    "tpu.region"() ({
      %run_scoped3A_51 = tpu.sem_alloc : memref<!tpu.dma_semaphore, #tpu.memory_space<semaphore_mem>>
      %dma_start3A_52 = arith.constant 0 : i32
      %dma_start3A_53 = arith.constant 0 : i32
      %dma_start3A_54 = tpu.memref_slice %arg4[%add3A, %dma_start3A_52, %dma_start3A_53] : memref<32x125x80xi32, #tpu.memory_space<hbm>> -> memref<1x125x80xi32, #tpu.memory_space<hbm>>
      %dma_start3A_55 = tpu.memref_squeeze %dma_start3A_54 : memref<1x125x80xi32, #tpu.memory_space<hbm>> -> memref<125x80xi32, #tpu.memory_space<hbm>>
      %dma_start3A_56 = arith.constant 0 : i32
      %dma_start3A_57 = arith.constant 0 : i32
      %dma_start3A_58 = tpu.memref_slice %arg4[%add3A, %dma_start3A_56, %dma_start3A_57] : memref<32x125x80xi32, #tpu.memory_space<hbm>> -> memref<1x125x80xi32, #tpu.memory_space<hbm>>
      %dma_start3A_59 = tpu.memref_squeeze %dma_start3A_58 : memref<1x125x80xi32, #tpu.memory_space<hbm>> -> memref<125x80xi32, #tpu.memory_space<hbm>>
      tpu.enqueue_dma source(%dma_start3A_59 : memref<125x80xi32, #tpu.memory_space<hbm>>) target(%arg8 : memref<125x80xi32, #tpu.memory_space<vmem>>) target_semaphore(%run_scoped3A_51 : memref<!tpu.dma_semaphore, #tpu.memory_space<semaphore_mem>>)
      %dma_wait3A_60 = arith.constant 0 : i32
      %dma_wait3A_61 = arith.constant 0 : i32
      %dma_wait3A_62 = tpu.memref_slice %arg4[%add3A, %dma_wait3A_60, %dma_wait3A_61] : memref<32x125x80xi32, #tpu.memory_space<hbm>> -> memref<1x125x80xi32, #tpu.memory_space<hbm>>
      %dma_wait3A_63 = tpu.memref_squeeze %dma_wait3A_62 : memref<1x125x80xi32, #tpu.memory_space<hbm>> -> memref<125x80xi32, #tpu.memory_space<hbm>>
      %dma_wait3A_64 = arith.constant 0 : i32
      %dma_wait3A_65 = arith.constant 0 : i32
      %dma_wait3A_66 = tpu.memref_slice %arg4[%add3A, %dma_wait3A_64, %dma_wait3A_65] : memref<32x125x80xi32, #tpu.memory_space<hbm>> -> memref<1x125x80xi32, #tpu.memory_space<hbm>>
      %dma_wait3A_67 = tpu.memref_squeeze %dma_wait3A_66 : memref<1x125x80xi32, #tpu.memory_space<hbm>> -> memref<125x80xi32, #tpu.memory_space<hbm>>
      tpu.wait_dma2 semaphore(%run_scoped3A_51 : memref<!tpu.dma_semaphore, #tpu.memory_space<semaphore_mem>>) src(%dma_wait3A_67 : memref<125x80xi32, #tpu.memory_space<hbm>>) dst(%arg8 : memref<125x80xi32, #tpu.memory_space<vmem>>)
      tpu.yield
    }) : () -> ()
    %barrier3A = arith.constant 0 : index
    tpu.barrier barrier_id(%barrier3A)
    %scan3A = arith.constant 0 : i32
    %scan3A_16 = arith.constant 61 : i32
    %scan3A_17 = arith.addi %scan3A, %scan3A_16 : i32
    %scan3A_18 = arith.constant 1 : i32
    scf.for %scan3A_51 = %scan3A to %scan3A_17 step %scan3A_18  : i32 {
      %mul3A_52 = arith.constant 1 : i32
      %mul3A_53 = arith.muli %scan3A_51, %mul3A_52 : i32
      %add3A_54 = arith.constant 0 : i32
      %add3A_55 = arith.addi %add3A_54, %mul3A_53 : i32
      %mul3A_56 = arith.constant 2 : i32
      %mul3A_57 = arith.muli %mul3A_56, %add3A_55 : i32
      %mul3A_58 = arith.constant 80 : i32
      %mul3A_59 = arith.muli %mul3A_57, %mul3A_58 : i32
      %dma_wait3A_60 = tpu.memref_slice %arg7[%mul3A_59] : memref<10000xi32, #tpu.memory_space<vmem>> -> memref<80xi32, #tpu.memory_space<vmem>>
      %dma_wait3A_61 = arith.constant 0 : i32
      %dma_wait3A_62 = arith.constant 0 : i32
      %dma_wait3A_63 = tpu.memref_slice %arg2[%dma_wait3A_61, %dma_wait3A_62] : memref<10000x128xf32, #tpu.memory_space<hbm>> -> memref<10000x128xf32, #tpu.memory_space<hbm>>
      tpu.wait_indirect_dma semaphore(%arg12 : memref<!tpu.dma_semaphore, #tpu.memory_space<semaphore_mem>>) src(%dma_wait3A_63 : memref<10000x128xf32, #tpu.memory_space<hbm>>) dst(%arg9 : memref<80x128xf32, #tpu.memory_space<vmem>>)
      "tpu.region"() ({
        %run_scoped3A_90 = tpu.sem_alloc : memref<!tpu.dma_semaphore, #tpu.memory_space<semaphore_mem>>
        %dma_start3A_91 = arith.constant 0 : i32
        %dma_start3A_92 = tpu.memref_slice %arg8[%mul3A_57, %dma_start3A_91] : memref<125x80xi32, #tpu.memory_space<vmem>> -> memref<1x80xi32, #tpu.memory_space<vmem>>
        %dma_start3A_93 = tpu.memref_squeeze %dma_start3A_92 : memref<1x80xi32, #tpu.memory_space<vmem>> -> memref<80xi32, #tpu.memory_space<vmem>>
        %dma_start3A_94 = arith.constant 0 : i32
        %dma_start3A_95 = arith.constant 0 : i32
        %dma_start3A_96 = tpu.memref_slice %arg11[%dma_start3A_94, %dma_start3A_95] : memref<10000x128xf32, #tpu.memory_space<vmem_shared>> -> memref<10000x128xf32, #tpu.memory_space<vmem_shared>>
        tpu.enqueue_indirect_dma source(%arg9 : memref<80x128xf32, #tpu.memory_space<vmem>>) target(%dma_start3A_96 : memref<10000x128xf32, #tpu.memory_space<vmem_shared>>) offsets(%dma_start3A_93 : memref<80xi32, #tpu.memory_space<vmem>>) semaphore(%run_scoped3A_90 : memref<!tpu.dma_semaphore, #tpu.memory_space<semaphore_mem>>) {add = true}
        %dma_wait3A_97 = arith.constant 0 : i32
        %dma_wait3A_98 = tpu.memref_slice %arg8[%mul3A_57, %dma_wait3A_97] : memref<125x80xi32, #tpu.memory_space<vmem>> -> memref<1x80xi32, #tpu.memory_space<vmem>>
        %dma_wait3A_99 = tpu.memref_squeeze %dma_wait3A_98 : memref<1x80xi32, #tpu.memory_space<vmem>> -> memref<80xi32, #tpu.memory_space<vmem>>
        %dma_wait3A_100 = arith.constant 0 : i32
        %dma_wait3A_101 = arith.constant 0 : i32
        %dma_wait3A_102 = tpu.memref_slice %arg11[%dma_wait3A_100, %dma_wait3A_101] : memref<10000x128xf32, #tpu.memory_space<vmem_shared>> -> memref<10000x128xf32, #tpu.memory_space<vmem_shared>>
        tpu.wait_indirect_dma semaphore(%run_scoped3A_90 : memref<!tpu.dma_semaphore, #tpu.memory_space<semaphore_mem>>) src(%arg9 : memref<80x128xf32, #tpu.memory_space<vmem>>) dst(%dma_wait3A_102 : memref<10000x128xf32, #tpu.memory_space<vmem_shared>>)
        tpu.yield
      }) : () -> ()
      %add3A_64 = arith.constant 2 : i32
      %add3A_65 = arith.addi %mul3A_57, %add3A_64 : i32
      %mul3A_66 = arith.constant 80 : i32
      %mul3A_67 = arith.muli %add3A_65, %mul3A_66 : i32
      %dma_start3A_68 = tpu.memref_slice %arg7[%mul3A_67] : memref<10000xi32, #tpu.memory_space<vmem>> -> memref<80xi32, #tpu.memory_space<vmem>>
      %dma_start3A_69 = arith.constant 0 : i32
      %dma_start3A_70 = arith.constant 0 : i32
      %dma_start3A_71 = tpu.memref_slice %arg2[%dma_start3A_69, %dma_start3A_70] : memref<10000x128xf32, #tpu.memory_space<hbm>> -> memref<10000x128xf32, #tpu.memory_space<hbm>>
      tpu.enqueue_indirect_dma source(%dma_start3A_71 : memref<10000x128xf32, #tpu.memory_space<hbm>>) target(%arg9 : memref<80x128xf32, #tpu.memory_space<vmem>>) offsets(%dma_start3A_68 : memref<80xi32, #tpu.memory_space<vmem>>) semaphore(%arg12 : memref<!tpu.dma_semaphore, #tpu.memory_space<semaphore_mem>>)
      %add3A_72 = arith.constant 1 : i32
      %add3A_73 = arith.addi %mul3A_57, %add3A_72 : i32
      %mul3A_74 = arith.constant 80 : i32
      %mul3A_75 = arith.muli %add3A_73, %mul3A_74 : i32
      %dma_wait3A_76 = tpu.memref_slice %arg7[%mul3A_75] : memref<10000xi32, #tpu.memory_space<vmem>> -> memref<80xi32, #tpu.memory_space<vmem>>
      %dma_wait3A_77 = arith.constant 0 : i32
      %dma_wait3A_78 = arith.constant 0 : i32
      %dma_wait3A_79 = tpu.memref_slice %arg2[%dma_wait3A_77, %dma_wait3A_78] : memref<10000x128xf32, #tpu.memory_space<hbm>> -> memref<10000x128xf32, #tpu.memory_space<hbm>>
      tpu.wait_indirect_dma semaphore(%arg13 : memref<!tpu.dma_semaphore, #tpu.memory_space<semaphore_mem>>) src(%dma_wait3A_79 : memref<10000x128xf32, #tpu.memory_space<hbm>>) dst(%arg10 : memref<80x128xf32, #tpu.memory_space<vmem>>)
      %add3A_80 = arith.constant 1 : i32
      %add3A_81 = arith.addi %mul3A_57, %add3A_80 : i32
      "tpu.region"() ({
        %run_scoped3A_90 = tpu.sem_alloc : memref<!tpu.dma_semaphore, #tpu.memory_space<semaphore_mem>>
        %dma_start3A_91 = arith.constant 0 : i32
        %dma_start3A_92 = tpu.memref_slice %arg8[%add3A_81, %dma_start3A_91] : memref<125x80xi32, #tpu.memory_space<vmem>> -> memref<1x80xi32, #tpu.memory_space<vmem>>
        %dma_start3A_93 = tpu.memref_squeeze %dma_start3A_92 : memref<1x80xi32, #tpu.memory_space<vmem>> -> memref<80xi32, #tpu.memory_space<vmem>>
        %dma_start3A_94 = arith.constant 0 : i32
        %dma_start3A_95 = arith.constant 0 : i32
        %dma_start3A_96 = tpu.memref_slice %arg11[%dma_start3A_94, %dma_start3A_95] : memref<10000x128xf32, #tpu.memory_space<vmem_shared>> -> memref<10000x128xf32, #tpu.memory_space<vmem_shared>>
        tpu.enqueue_indirect_dma source(%arg10 : memref<80x128xf32, #tpu.memory_space<vmem>>) target(%dma_start3A_96 : memref<10000x128xf32, #tpu.memory_space<vmem_shared>>) offsets(%dma_start3A_93 : memref<80xi32, #tpu.memory_space<vmem>>) semaphore(%run_scoped3A_90 : memref<!tpu.dma_semaphore, #tpu.memory_space<semaphore_mem>>) {add = true}
        %dma_wait3A_97 = arith.constant 0 : i32
        %dma_wait3A_98 = tpu.memref_slice %arg8[%add3A_81, %dma_wait3A_97] : memref<125x80xi32, #tpu.memory_space<vmem>> -> memref<1x80xi32, #tpu.memory_space<vmem>>
        %dma_wait3A_99 = tpu.memref_squeeze %dma_wait3A_98 : memref<1x80xi32, #tpu.memory_space<vmem>> -> memref<80xi32, #tpu.memory_space<vmem>>
        %dma_wait3A_100 = arith.constant 0 : i32
        %dma_wait3A_101 = arith.constant 0 : i32
        %dma_wait3A_102 = tpu.memref_slice %arg11[%dma_wait3A_100, %dma_wait3A_101] : memref<10000x128xf32, #tpu.memory_space<vmem_shared>> -> memref<10000x128xf32, #tpu.memory_space<vmem_shared>>
        tpu.wait_indirect_dma semaphore(%run_scoped3A_90 : memref<!tpu.dma_semaphore, #tpu.memory_space<semaphore_mem>>) src(%arg10 : memref<80x128xf32, #tpu.memory_space<vmem>>) dst(%dma_wait3A_102 : memref<10000x128xf32, #tpu.memory_space<vmem_shared>>)
        tpu.yield
      }) : () -> ()
      %add3A_82 = arith.constant 3 : i32
      %add3A_83 = arith.addi %mul3A_57, %add3A_82 : i32
      %mul3A_84 = arith.constant 80 : i32
      %mul3A_85 = arith.muli %add3A_83, %mul3A_84 : i32
      %dma_start3A_86 = tpu.memref_slice %arg7[%mul3A_85] : memref<10000xi32, #tpu.memory_space<vmem>> -> memref<80xi32, #tpu.memory_space<vmem>>
      %dma_start3A_87 = arith.constant 0 : i32
      %dma_start3A_88 = arith.constant 0 : i32
      %dma_start3A_89 = tpu.memref_slice %arg2[%dma_start3A_87, %dma_start3A_88] : memref<10000x128xf32, #tpu.memory_space<hbm>> -> memref<10000x128xf32, #tpu.memory_space<hbm>>
      tpu.enqueue_indirect_dma source(%dma_start3A_89 : memref<10000x128xf32, #tpu.memory_space<hbm>>) target(%arg10 : memref<80x128xf32, #tpu.memory_space<vmem>>) offsets(%dma_start3A_86 : memref<80xi32, #tpu.memory_space<vmem>>) semaphore(%arg13 : memref<!tpu.dma_semaphore, #tpu.memory_space<semaphore_mem>>)
    }
    %scan3A_19 = arith.constant 61 : i32
    %dma_wait3A = arith.constant 9760 : i32
    %dma_wait3A_20 = tpu.memref_slice %arg7[%dma_wait3A] : memref<10000xi32, #tpu.memory_space<vmem>> -> memref<80xi32, #tpu.memory_space<vmem>>
    %dma_wait3A_21 = arith.constant 0 : i32
    %dma_wait3A_22 = arith.constant 0 : i32
    %dma_wait3A_23 = tpu.memref_slice %arg2[%dma_wait3A_21, %dma_wait3A_22] : memref<10000x128xf32, #tpu.memory_space<hbm>> -> memref<10000x128xf32, #tpu.memory_space<hbm>>
    tpu.wait_indirect_dma semaphore(%arg12 : memref<!tpu.dma_semaphore, #tpu.memory_space<semaphore_mem>>) src(%dma_wait3A_23 : memref<10000x128xf32, #tpu.memory_space<hbm>>) dst(%arg9 : memref<80x128xf32, #tpu.memory_space<vmem>>)
    %run_scoped3A = arith.constant 122 : i32
    "tpu.region"() ({
      %run_scoped3A_51 = tpu.sem_alloc : memref<!tpu.dma_semaphore, #tpu.memory_space<semaphore_mem>>
      %dma_start3A_52 = arith.constant 0 : i32
      %dma_start3A_53 = tpu.memref_slice %arg8[%run_scoped3A, %dma_start3A_52] : memref<125x80xi32, #tpu.memory_space<vmem>> -> memref<1x80xi32, #tpu.memory_space<vmem>>
      %dma_start3A_54 = tpu.memref_squeeze %dma_start3A_53 : memref<1x80xi32, #tpu.memory_space<vmem>> -> memref<80xi32, #tpu.memory_space<vmem>>
      %dma_start3A_55 = arith.constant 0 : i32
      %dma_start3A_56 = arith.constant 0 : i32
      %dma_start3A_57 = tpu.memref_slice %arg11[%dma_start3A_55, %dma_start3A_56] : memref<10000x128xf32, #tpu.memory_space<vmem_shared>> -> memref<10000x128xf32, #tpu.memory_space<vmem_shared>>
      tpu.enqueue_indirect_dma source(%arg9 : memref<80x128xf32, #tpu.memory_space<vmem>>) target(%dma_start3A_57 : memref<10000x128xf32, #tpu.memory_space<vmem_shared>>) offsets(%dma_start3A_54 : memref<80xi32, #tpu.memory_space<vmem>>) semaphore(%run_scoped3A_51 : memref<!tpu.dma_semaphore, #tpu.memory_space<semaphore_mem>>) {add = true}
      %dma_wait3A_58 = arith.constant 0 : i32
      %dma_wait3A_59 = tpu.memref_slice %arg8[%run_scoped3A, %dma_wait3A_58] : memref<125x80xi32, #tpu.memory_space<vmem>> -> memref<1x80xi32, #tpu.memory_space<vmem>>
      %dma_wait3A_60 = tpu.memref_squeeze %dma_wait3A_59 : memref<1x80xi32, #tpu.memory_space<vmem>> -> memref<80xi32, #tpu.memory_space<vmem>>
      %dma_wait3A_61 = arith.constant 0 : i32
      %dma_wait3A_62 = arith.constant 0 : i32
      %dma_wait3A_63 = tpu.memref_slice %arg11[%dma_wait3A_61, %dma_wait3A_62] : memref<10000x128xf32, #tpu.memory_space<vmem_shared>> -> memref<10000x128xf32, #tpu.memory_space<vmem_shared>>
      tpu.wait_indirect_dma semaphore(%run_scoped3A_51 : memref<!tpu.dma_semaphore, #tpu.memory_space<semaphore_mem>>) src(%arg9 : memref<80x128xf32, #tpu.memory_space<vmem>>) dst(%dma_wait3A_63 : memref<10000x128xf32, #tpu.memory_space<vmem_shared>>)
      tpu.yield
    }) : () -> ()
    %dma_start3A_24 = arith.constant 9920 : i32
    %dma_start3A_25 = tpu.memref_slice %arg7[%dma_start3A_24] : memref<10000xi32, #tpu.memory_space<vmem>> -> memref<80xi32, #tpu.memory_space<vmem>>
    %dma_start3A_26 = arith.constant 0 : i32
    %dma_start3A_27 = arith.constant 0 : i32
    %dma_start3A_28 = tpu.memref_slice %arg2[%dma_start3A_26, %dma_start3A_27] : memref<10000x128xf32, #tpu.memory_space<hbm>> -> memref<10000x128xf32, #tpu.memory_space<hbm>>
    tpu.enqueue_indirect_dma source(%dma_start3A_28 : memref<10000x128xf32, #tpu.memory_space<hbm>>) target(%arg9 : memref<80x128xf32, #tpu.memory_space<vmem>>) offsets(%dma_start3A_25 : memref<80xi32, #tpu.memory_space<vmem>>) semaphore(%arg12 : memref<!tpu.dma_semaphore, #tpu.memory_space<semaphore_mem>>)
    %dma_wait3A_29 = arith.constant 9840 : i32
    %dma_wait3A_30 = tpu.memref_slice %arg7[%dma_wait3A_29] : memref<10000xi32, #tpu.memory_space<vmem>> -> memref<80xi32, #tpu.memory_space<vmem>>
    %dma_wait3A_31 = arith.constant 0 : i32
    %dma_wait3A_32 = arith.constant 0 : i32
    %dma_wait3A_33 = tpu.memref_slice %arg2[%dma_wait3A_31, %dma_wait3A_32] : memref<10000x128xf32, #tpu.memory_space<hbm>> -> memref<10000x128xf32, #tpu.memory_space<hbm>>
    tpu.wait_indirect_dma semaphore(%arg13 : memref<!tpu.dma_semaphore, #tpu.memory_space<semaphore_mem>>) src(%dma_wait3A_33 : memref<10000x128xf32, #tpu.memory_space<hbm>>) dst(%arg10 : memref<80x128xf32, #tpu.memory_space<vmem>>)
    %run_scoped3A_34 = arith.constant 123 : i32
    "tpu.region"() ({
      %run_scoped3A_51 = tpu.sem_alloc : memref<!tpu.dma_semaphore, #tpu.memory_space<semaphore_mem>>
      %dma_start3A_52 = arith.constant 0 : i32
      %dma_start3A_53 = tpu.memref_slice %arg8[%run_scoped3A_34, %dma_start3A_52] : memref<125x80xi32, #tpu.memory_space<vmem>> -> memref<1x80xi32, #tpu.memory_space<vmem>>
      %dma_start3A_54 = tpu.memref_squeeze %dma_start3A_53 : memref<1x80xi32, #tpu.memory_space<vmem>> -> memref<80xi32, #tpu.memory_space<vmem>>
      %dma_start3A_55 = arith.constant 0 : i32
      %dma_start3A_56 = arith.constant 0 : i32
      %dma_start3A_57 = tpu.memref_slice %arg11[%dma_start3A_55, %dma_start3A_56] : memref<10000x128xf32, #tpu.memory_space<vmem_shared>> -> memref<10000x128xf32, #tpu.memory_space<vmem_shared>>
      tpu.enqueue_indirect_dma source(%arg10 : memref<80x128xf32, #tpu.memory_space<vmem>>) target(%dma_start3A_57 : memref<10000x128xf32, #tpu.memory_space<vmem_shared>>) offsets(%dma_start3A_54 : memref<80xi32, #tpu.memory_space<vmem>>) semaphore(%run_scoped3A_51 : memref<!tpu.dma_semaphore, #tpu.memory_space<semaphore_mem>>) {add = true}
      %dma_wait3A_58 = arith.constant 0 : i32
      %dma_wait3A_59 = tpu.memref_slice %arg8[%run_scoped3A_34, %dma_wait3A_58] : memref<125x80xi32, #tpu.memory_space<vmem>> -> memref<1x80xi32, #tpu.memory_space<vmem>>
      %dma_wait3A_60 = tpu.memref_squeeze %dma_wait3A_59 : memref<1x80xi32, #tpu.memory_space<vmem>> -> memref<80xi32, #tpu.memory_space<vmem>>
      %dma_wait3A_61 = arith.constant 0 : i32
      %dma_wait3A_62 = arith.constant 0 : i32
      %dma_wait3A_63 = tpu.memref_slice %arg11[%dma_wait3A_61, %dma_wait3A_62] : memref<10000x128xf32, #tpu.memory_space<vmem_shared>> -> memref<10000x128xf32, #tpu.memory_space<vmem_shared>>
      tpu.wait_indirect_dma semaphore(%run_scoped3A_51 : memref<!tpu.dma_semaphore, #tpu.memory_space<semaphore_mem>>) src(%arg10 : memref<80x128xf32, #tpu.memory_space<vmem>>) dst(%dma_wait3A_63 : memref<10000x128xf32, #tpu.memory_space<vmem_shared>>)
      tpu.yield
    }) : () -> ()
    %dma_wait3A_35 = arith.constant 9920 : i32
    %dma_wait3A_36 = tpu.memref_slice %arg7[%dma_wait3A_35] : memref<10000xi32, #tpu.memory_space<vmem>> -> memref<80xi32, #tpu.memory_space<vmem>>
    %dma_wait3A_37 = arith.constant 0 : i32
    %dma_wait3A_38 = arith.constant 0 : i32
    %dma_wait3A_39 = tpu.memref_slice %arg2[%dma_wait3A_37, %dma_wait3A_38] : memref<10000x128xf32, #tpu.memory_space<hbm>> -> memref<10000x128xf32, #tpu.memory_space<hbm>>
    tpu.wait_indirect_dma semaphore(%arg12 : memref<!tpu.dma_semaphore, #tpu.memory_space<semaphore_mem>>) src(%dma_wait3A_39 : memref<10000x128xf32, #tpu.memory_space<hbm>>) dst(%arg9 : memref<80x128xf32, #tpu.memory_space<vmem>>)
    %run_scoped3A_40 = arith.constant 124 : i32
    "tpu.region"() ({
      %run_scoped3A_51 = tpu.sem_alloc : memref<!tpu.dma_semaphore, #tpu.memory_space<semaphore_mem>>
      %dma_start3A_52 = arith.constant 0 : i32
      %dma_start3A_53 = tpu.memref_slice %arg8[%run_scoped3A_40, %dma_start3A_52] : memref<125x80xi32, #tpu.memory_space<vmem>> -> memref<1x80xi32, #tpu.memory_space<vmem>>
      %dma_start3A_54 = tpu.memref_squeeze %dma_start3A_53 : memref<1x80xi32, #tpu.memory_space<vmem>> -> memref<80xi32, #tpu.memory_space<vmem>>
      %dma_start3A_55 = arith.constant 0 : i32
      %dma_start3A_56 = arith.constant 0 : i32
      %dma_start3A_57 = tpu.memref_slice %arg11[%dma_start3A_55, %dma_start3A_56] : memref<10000x128xf32, #tpu.memory_space<vmem_shared>> -> memref<10000x128xf32, #tpu.memory_space<vmem_shared>>
      tpu.enqueue_indirect_dma source(%arg9 : memref<80x128xf32, #tpu.memory_space<vmem>>) target(%dma_start3A_57 : memref<10000x128xf32, #tpu.memory_space<vmem_shared>>) offsets(%dma_start3A_54 : memref<80xi32, #tpu.memory_space<vmem>>) semaphore(%run_scoped3A_51 : memref<!tpu.dma_semaphore, #tpu.memory_space<semaphore_mem>>) {add = true}
      %dma_wait3A_58 = arith.constant 0 : i32
      %dma_wait3A_59 = tpu.memref_slice %arg8[%run_scoped3A_40, %dma_wait3A_58] : memref<125x80xi32, #tpu.memory_space<vmem>> -> memref<1x80xi32, #tpu.memory_space<vmem>>
      %dma_wait3A_60 = tpu.memref_squeeze %dma_wait3A_59 : memref<1x80xi32, #tpu.memory_space<vmem>> -> memref<80xi32, #tpu.memory_space<vmem>>
      %dma_wait3A_61 = arith.constant 0 : i32
      %dma_wait3A_62 = arith.constant 0 : i32
      %dma_wait3A_63 = tpu.memref_slice %arg11[%dma_wait3A_61, %dma_wait3A_62] : memref<10000x128xf32, #tpu.memory_space<vmem_shared>> -> memref<10000x128xf32, #tpu.memory_space<vmem_shared>>
      tpu.wait_indirect_dma semaphore(%run_scoped3A_51 : memref<!tpu.dma_semaphore, #tpu.memory_space<semaphore_mem>>) src(%arg9 : memref<80x128xf32, #tpu.memory_space<vmem>>) dst(%dma_wait3A_63 : memref<10000x128xf32, #tpu.memory_space<vmem_shared>>)
      tpu.yield
    }) : () -> ()
    %barrier3A_41 = arith.constant 0 : index
    tpu.barrier barrier_id(%barrier3A_41)
    %mul3A_42 = arith.constant 624 : i32
    %mul3A_43 = arith.muli %arg1, %mul3A_42 : i32
    %mul3A_44 = arith.constant 624 : i32
    %mul3A_45 = arith.muli %arg1, %mul3A_44 : i32
    "tpu.region"() ({
      %run_scoped3A_51 = tpu.sem_alloc : memref<!tpu.dma_semaphore, #tpu.memory_space<semaphore_mem>>
      %dma_start3A_52 = arith.constant 0 : i32
      %dma_start3A_53 = tpu.memref_slice %arg6[%arg0, %mul3A_45, %dma_start3A_52] : memref<2x10000x128xf32, #tpu.memory_space<hbm>> -> memref<1x624x128xf32, #tpu.memory_space<hbm>>
      %dma_start3A_54 = tpu.memref_squeeze %dma_start3A_53 : memref<1x624x128xf32, #tpu.memory_space<hbm>> -> memref<624x128xf32, #tpu.memory_space<hbm>>
      %dma_start3A_55 = arith.constant 0 : i32
      %dma_start3A_56 = tpu.memref_slice %arg11[%mul3A_43, %dma_start3A_55] : memref<10000x128xf32, #tpu.memory_space<vmem_shared>> -> memref<624x128xf32, #tpu.memory_space<vmem_shared>>
      tpu.enqueue_dma source(%dma_start3A_56 : memref<624x128xf32, #tpu.memory_space<vmem_shared>>) target(%dma_start3A_54 : memref<624x128xf32, #tpu.memory_space<hbm>>) target_semaphore(%run_scoped3A_51 : memref<!tpu.dma_semaphore, #tpu.memory_space<semaphore_mem>>)
      %dma_wait3A_57 = arith.constant 0 : i32
      %dma_wait3A_58 = tpu.memref_slice %arg6[%arg0, %mul3A_45, %dma_wait3A_57] : memref<2x10000x128xf32, #tpu.memory_space<hbm>> -> memref<1x624x128xf32, #tpu.memory_space<hbm>>
      %dma_wait3A_59 = tpu.memref_squeeze %dma_wait3A_58 : memref<1x624x128xf32, #tpu.memory_space<hbm>> -> memref<624x128xf32, #tpu.memory_space<hbm>>
      %dma_wait3A_60 = arith.constant 0 : i32
      %dma_wait3A_61 = tpu.memref_slice %arg11[%mul3A_43, %dma_wait3A_60] : memref<10000x128xf32, #tpu.memory_space<vmem_shared>> -> memref<624x128xf32, #tpu.memory_space<vmem_shared>>
      tpu.wait_dma2 semaphore(%run_scoped3A_51 : memref<!tpu.dma_semaphore, #tpu.memory_space<semaphore_mem>>) src(%dma_wait3A_61 : memref<624x128xf32, #tpu.memory_space<vmem_shared>>) dst(%dma_wait3A_59 : memref<624x128xf32, #tpu.memory_space<hbm>>)
      tpu.yield
    }) : () -> ()
    %eq3A_46 = arith.constant 15 : i32
    %eq3A_47 = arith.cmpi eq, %arg1, %eq3A_46 : i32
    %convert_element_type3A_48 = arith.extui %eq3A_47 : i1 to i32
    %cond3A_49 = arith.constant 0 : i32
    %cond3A_50 = arith.cmpi ne, %convert_element_type3A_48, %cond3A_49 : i32
    scf.if %cond3A_50 {
      "tpu.region"() ({
        %run_scoped3A_51 = tpu.sem_alloc : memref<!tpu.dma_semaphore, #tpu.memory_space<semaphore_mem>>
        %dma_start3A_52 = arith.constant 9984 : i32
        %dma_start3A_53 = arith.constant 0 : i32
        %dma_start3A_54 = tpu.memref_slice %arg6[%arg0, %dma_start3A_52, %dma_start3A_53] : memref<2x10000x128xf32, #tpu.memory_space<hbm>> -> memref<1x16x128xf32, #tpu.memory_space<hbm>>
        %dma_start3A_55 = tpu.memref_squeeze %dma_start3A_54 : memref<1x16x128xf32, #tpu.memory_space<hbm>> -> memref<16x128xf32, #tpu.memory_space<hbm>>
        %dma_start3A_56 = arith.constant 9984 : i32
        %dma_start3A_57 = arith.constant 0 : i32
        %dma_start3A_58 = tpu.memref_slice %arg11[%dma_start3A_56, %dma_start3A_57] : memref<10000x128xf32, #tpu.memory_space<vmem_shared>> -> memref<16x128xf32, #tpu.memory_space<vmem_shared>>
        tpu.enqueue_dma source(%dma_start3A_58 : memref<16x128xf32, #tpu.memory_space<vmem_shared>>) target(%dma_start3A_55 : memref<16x128xf32, #tpu.memory_space<hbm>>) target_semaphore(%run_scoped3A_51 : memref<!tpu.dma_semaphore, #tpu.memory_space<semaphore_mem>>)
        %dma_wait3A_59 = arith.constant 9984 : i32
        %dma_wait3A_60 = arith.constant 0 : i32
        %dma_wait3A_61 = tpu.memref_slice %arg6[%arg0, %dma_wait3A_59, %dma_wait3A_60] : memref<2x10000x128xf32, #tpu.memory_space<hbm>> -> memref<1x16x128xf32, #tpu.memory_space<hbm>>
        %dma_wait3A_62 = tpu.memref_squeeze %dma_wait3A_61 : memref<1x16x128xf32, #tpu.memory_space<hbm>> -> memref<16x128xf32, #tpu.memory_space<hbm>>
        %dma_wait3A_63 = arith.constant 9984 : i32
        %dma_wait3A_64 = arith.constant 0 : i32
        %dma_wait3A_65 = tpu.memref_slice %arg11[%dma_wait3A_63, %dma_wait3A_64] : memref<10000x128xf32, #tpu.memory_space<vmem_shared>> -> memref<16x128xf32, #tpu.memory_space<vmem_shared>>
        tpu.wait_dma2 semaphore(%run_scoped3A_51 : memref<!tpu.dma_semaphore, #tpu.memory_space<semaphore_mem>>) src(%dma_wait3A_65 : memref<16x128xf32, #tpu.memory_space<vmem_shared>>) dst(%dma_wait3A_62 : memref<16x128xf32, #tpu.memory_space<hbm>>)
        tpu.yield
      }) : () -> ()
    } else {
    }
    return
  }
}

module attributes {stable_mosaic.version = 14 : i64} {
  func.func @_att_body(%arg0: i32, %arg1: memref<1000x64xf32, #tpu.memory_space<vmem>>, %arg2: memref<64x128xf32, #tpu.memory_space<vmem>>, %arg3: memref<128x64xf32, #tpu.memory_space<vmem>>, %arg4: memref<64x128xf32, #tpu.memory_space<vmem>>, %arg5: memref<1000x128xf32, #tpu.memory_space<vmem>>) attributes {dimension_semantics = [#tpu.dimension_semantics<arbitrary>], iteration_bounds = array<i64: 10>, scalar_prefetch = 0 : i64, scratch_operands = 0 : i64, tpu.core_type = #tpu.core_type<tc>, window_params = [{transform_indices = @transform_0, window_bounds = array<i64: 1000, 64>}, {pipeline_mode = #tpu.pipeline_mode<synchronous>, transform_indices = @transform_1, window_bounds = array<i64: 64, 128>}, {pipeline_mode = #tpu.pipeline_mode<synchronous>, transform_indices = @transform_2, window_bounds = array<i64: 128, 64>}, {pipeline_mode = #tpu.pipeline_mode<synchronous>, transform_indices = @transform_3, window_bounds = array<i64: 64, 128>}, {transform_indices = @transform_4, window_bounds = array<i64: 1000, 128>}]} {
    %get3A = arith.constant 0 : index
    %get3A_0 = arith.constant 0 : index
    %get3A_1 = vector.load %arg1[%get3A, %get3A_0] : memref<1000x64xf32, #tpu.memory_space<vmem>>, vector<1000x64xf32>
    %get3A_2 = arith.constant 0 : index
    %get3A_3 = arith.constant 0 : index
    %get3A_4 = vector.load %arg2[%get3A_2, %get3A_3] : memref<64x128xf32, #tpu.memory_space<vmem>>, vector<64x128xf32>
    %dot_general3A = arith.constant dense<0.000000e+00> : vector<1000x128xf32>
    %dot_general3A_5 = tpu.matmul %get3A_1, %get3A_4, %dot_general3A {dimension_numbers = #tpu.dot_dimension_numbers<[1], [0], [0], [1], [0, 0, 1, 1], [], []>, transpose_lhs_hint = false} : vector<1000x64xf32>, vector<64x128xf32>, vector<1000x128xf32> -> vector<1000x128xf32>
    %max3A = arith.constant 0.000000e+00 : f32
    %max3A_6 = vector.broadcast %max3A : f32 to vector<1000x128xf32>
    %max3A_7 = arith.maximumf %dot_general3A_5, %max3A_6 : vector<1000x128xf32>
    %get3A_8 = arith.constant 0 : index
    %get3A_9 = arith.constant 0 : index
    %get3A_10 = vector.load %arg3[%get3A_8, %get3A_9] : memref<128x64xf32, #tpu.memory_space<vmem>>, vector<128x64xf32>
    %dot_general3A_11 = arith.constant dense<0.000000e+00> : vector<1000x64xf32>
    %dot_general3A_12 = tpu.matmul %max3A_7, %get3A_10, %dot_general3A_11 {dimension_numbers = #tpu.dot_dimension_numbers<[1], [0], [0], [1], [0, 0, 1, 1], [], []>, transpose_lhs_hint = false} : vector<1000x128xf32>, vector<128x64xf32>, vector<1000x64xf32> -> vector<1000x64xf32>
    %reduce_max3A = arith.constant dense<0xFF800000> : vector<1000xf32>
    %reduce_max3A_13 = vector.multi_reduction <maximumf>, %dot_general3A_12, %reduce_max3A [1] : vector<1000x64xf32> to vector<1000xf32>
    %broadcast_in_dim3A = vector.shape_cast %reduce_max3A_13 : vector<1000xf32> to vector<1000x1xf32>
    %sub3A = vector.broadcast %broadcast_in_dim3A : vector<1000x1xf32> to vector<1000x64xf32>
    %sub3A_14 = arith.subf %dot_general3A_12, %sub3A : vector<1000x64xf32>
    %exp3A = math.exp %sub3A_14 : vector<1000x64xf32>
    %reduce_sum3A = arith.constant dense<0.000000e+00> : vector<1000xf32>
    %reduce_sum3A_15 = vector.multi_reduction <add>, %exp3A, %reduce_sum3A [1] : vector<1000x64xf32> to vector<1000xf32>
    %broadcast_in_dim3A_16 = vector.shape_cast %reduce_sum3A_15 : vector<1000xf32> to vector<1000x1xf32>
    %div3A = vector.broadcast %broadcast_in_dim3A_16 : vector<1000x1xf32> to vector<1000x64xf32>
    %div3A_17 = arith.divf %exp3A, %div3A : vector<1000x64xf32>
    %mul3A = arith.mulf %get3A_1, %div3A_17 : vector<1000x64xf32>
    %get3A_18 = arith.constant 0 : index
    %get3A_19 = arith.constant 0 : index
    %get3A_20 = vector.load %arg4[%get3A_18, %get3A_19] : memref<64x128xf32, #tpu.memory_space<vmem>>, vector<64x128xf32>
    %dot_general3A_21 = arith.constant dense<0.000000e+00> : vector<1000x128xf32>
    %dot_general3A_22 = tpu.matmul %mul3A, %get3A_20, %dot_general3A_21 {dimension_numbers = #tpu.dot_dimension_numbers<[1], [0], [0], [1], [0, 0, 1, 1], [], []>, transpose_lhs_hint = false} : vector<1000x64xf32>, vector<64x128xf32>, vector<1000x128xf32> -> vector<1000x128xf32>
    %swap3A = arith.constant 0 : index
    %swap3A_23 = arith.constant 0 : index
    %swap3A_24 = vector.load %arg5[%swap3A, %swap3A_23] : memref<1000x128xf32, #tpu.memory_space<vmem>>, vector<1000x128xf32>
    tpu.vector_store %arg5[%swap3A, %swap3A_23], %dot_general3A_22 {strides = array<i32>} : memref<1000x128xf32, #tpu.memory_space<vmem>>, vector<1000x128xf32>,
    return
  }
  func.func @transform_0(%arg0: i32) -> (i32, i32) {
    %c0_i32 = arith.constant 0 : i32
    %c0_i32_0 = arith.constant 0 : i32
    return %arg0, %c0_i32 : i32, i32
  }
  func.func @transform_1(%arg0: i32) -> (i32, i32) {
    %c0_i32 = arith.constant 0 : i32
    %c0_i32_0 = arith.constant 0 : i32
    %c0_i32_1 = arith.constant 0 : i32
    return %c0_i32, %c0_i32_0 : i32, i32
  }
  func.func @transform_2(%arg0: i32) -> (i32, i32) {
    %c0_i32 = arith.constant 0 : i32
    %c0_i32_0 = arith.constant 0 : i32
    %c0_i32_1 = arith.constant 0 : i32
    return %c0_i32, %c0_i32_0 : i32, i32
  }
  func.func @transform_3(%arg0: i32) -> (i32, i32) {
    %c0_i32 = arith.constant 0 : i32
    %c0_i32_0 = arith.constant 0 : i32
    %c0_i32_1 = arith.constant 0 : i32
    return %c0_i32, %c0_i32_0 : i32, i32
  }
  func.func @transform_4(%arg0: i32) -> (i32, i32) {
    %c0_i32 = arith.constant 0 : i32
    %c0_i32_0 = arith.constant 0 : i32
    return %arg0, %c0_i32 : i32, i32
  }
}

module attributes {stable_mosaic.version = 14 : i64} {
  func.func @_bn_gram_body(%arg0: i32, %arg1: memref<2x10000x128xf32, #tpu.memory_space<vmem>>, %arg2: memref<1x128xf32, #tpu.memory_space<vmem>>, %arg3: memref<1x128xf32, #tpu.memory_space<vmem>>, %arg4: memref<200x10000xf32, #tpu.memory_space<vmem>>, %arg5: memref<10000x128xf32, #tpu.memory_space<vmem>>) attributes {dimension_semantics = [#tpu.dimension_semantics<arbitrary>], iteration_bounds = array<i64: 50>, scalar_prefetch = 0 : i64, scratch_operands = 1 : i64, tpu.core_type = #tpu.core_type<tc>, window_params = [{pipeline_mode = #tpu.pipeline_mode<synchronous>, transform_indices = @transform_0, window_bounds = array<i64: 2, 10000, 128>}, {pipeline_mode = #tpu.pipeline_mode<synchronous>, transform_indices = @transform_1, window_bounds = array<i64: 1, 128>}, {pipeline_mode = #tpu.pipeline_mode<synchronous>, transform_indices = @transform_2, window_bounds = array<i64: 1, 128>}, {transform_indices = @transform_3, window_bounds = array<i64: 200, 10000>}]} {
    %eq3A = arith.constant 0 : i32
    %eq3A_0 = arith.cmpi eq, %arg0, %eq3A : i32
    %convert_element_type3A = arith.extui %eq3A_0 : i1 to i32
    %cond3A = arith.constant 0 : i32
    %cond3A_1 = arith.cmpi ne, %convert_element_type3A, %cond3A : i32
    scf.if %cond3A_1 {
      %get3A_11 = arith.constant 0 : index
      %get3A_12 = arith.constant 0 : index
      %get3A_13 = arith.constant 0 : index
      %get3A_14 = vector.load %arg1[%get3A_11, %get3A_12, %get3A_13] : memref<2x10000x128xf32, #tpu.memory_space<vmem>>, vector<1x10000x128xf32>
      %get3A_15 = vector.shape_cast %get3A_14 : vector<1x10000x128xf32> to vector<10000x128xf32>
      %get3A_16 = arith.constant 1 : index
      %get3A_17 = arith.constant 0 : index
      %get3A_18 = arith.constant 0 : index
      %get3A_19 = vector.load %arg1[%get3A_16, %get3A_17, %get3A_18] : memref<2x10000x128xf32, #tpu.memory_space<vmem>>, vector<1x10000x128xf32>
      %get3A_20 = vector.shape_cast %get3A_19 : vector<1x10000x128xf32> to vector<10000x128xf32>
      %add3A = arith.addf %get3A_15, %get3A_20 : vector<10000x128xf32>
      %max3A = arith.constant 0.000000e+00 : f32
      %max3A_21 = vector.broadcast %max3A : f32 to vector<10000x128xf32>
      %max3A_22 = arith.maximumf %add3A, %max3A_21 : vector<10000x128xf32>
      %reduce_sum3A = arith.constant dense<0.000000e+00> : vector<128xf32>
      %reduce_sum3A_23 = vector.multi_reduction <add>, %max3A_22, %reduce_sum3A [0] : vector<10000x128xf32> to vector<128xf32>
      %broadcast_in_dim3A = vector.shape_cast %reduce_sum3A_23 : vector<128xf32> to vector<1x128xf32>
      %div3A = arith.constant 1.000000e+04 : f32
      %div3A_24 = vector.broadcast %div3A : f32 to vector<1x128xf32>
      %div3A_25 = arith.divf %broadcast_in_dim3A, %div3A_24 : vector<1x128xf32>
      %sub3A = vector.broadcast %div3A_25 : vector<1x128xf32> to vector<10000x128xf32>
      %sub3A_26 = arith.subf %max3A_22, %sub3A : vector<10000x128xf32>
      %square3A = arith.mulf %sub3A_26, %sub3A_26 : vector<10000x128xf32>
      %reduce_sum3A_27 = arith.constant dense<0.000000e+00> : vector<128xf32>
      %reduce_sum3A_28 = vector.multi_reduction <add>, %square3A, %reduce_sum3A_27 [0] : vector<10000x128xf32> to vector<128xf32>
      %broadcast_in_dim3A_29 = vector.shape_cast %reduce_sum3A_28 : vector<128xf32> to vector<1x128xf32>
      %div3A_30 = arith.constant 1.000000e+04 : f32
      %div3A_31 = vector.broadcast %div3A_30 : f32 to vector<1x128xf32>
      %div3A_32 = arith.divf %broadcast_in_dim3A_29, %div3A_31 : vector<1x128xf32>
      %add3A_33 = arith.constant 9.99999974E-6 : f32
      %add3A_34 = vector.broadcast %add3A_33 : f32 to vector<1x128xf32>
      %add3A_35 = arith.addf %div3A_32, %add3A_34 : vector<1x128xf32>
      %rsqrt3A = math.rsqrt %add3A_35 : vector<1x128xf32>
      %sub3A_36 = vector.broadcast %div3A_25 : vector<1x128xf32> to vector<10000x128xf32>
      %sub3A_37 = arith.subf %max3A_22, %sub3A_36 : vector<10000x128xf32>
      %mul3A_38 = vector.broadcast %rsqrt3A : vector<1x128xf32> to vector<10000x128xf32>
      %mul3A_39 = arith.mulf %sub3A_37, %mul3A_38 : vector<10000x128xf32>
      %get3A_40 = arith.constant 0 : index
      %get3A_41 = arith.constant 0 : index
      %get3A_42 = vector.load %arg2[%get3A_40, %get3A_41] : memref<1x128xf32, #tpu.memory_space<vmem>>, vector<1x128xf32>
      %mul3A_43 = vector.broadcast %get3A_42 : vector<1x128xf32> to vector<10000x128xf32>
      %mul3A_44 = arith.mulf %mul3A_39, %mul3A_43 : vector<10000x128xf32>
      %get3A_45 = arith.constant 0 : index
      %get3A_46 = arith.constant 0 : index
      %get3A_47 = vector.load %arg3[%get3A_45, %get3A_46] : memref<1x128xf32, #tpu.memory_space<vmem>>, vector<1x128xf32>
      %add3A_48 = vector.broadcast %get3A_47 : vector<1x128xf32> to vector<10000x128xf32>
      %add3A_49 = arith.addf %mul3A_44, %add3A_48 : vector<10000x128xf32>
      %swap3A_50 = arith.constant 0 : index
      %swap3A_51 = arith.constant 0 : index
      %swap3A_52 = vector.load %arg5[%swap3A_50, %swap3A_51] : memref<10000x128xf32, #tpu.memory_space<vmem>>, vector<10000x128xf32>
      tpu.vector_store %arg5[%swap3A_50, %swap3A_51], %add3A_49 {strides = array<i32>} : memref<10000x128xf32, #tpu.memory_space<vmem>>, vector<10000x128xf32>,
    } else {
    }
    %mul3A = arith.constant 200 : i32
    %mul3A_2 = arith.muli %arg0, %mul3A : i32
    %get3A = arith.index_cast %mul3A_2 : i32 to index
    %get3A_3 = arith.constant 0 : index
    %get3A_4 = vector.load %arg5[%get3A, %get3A_3] : memref<10000x128xf32, #tpu.memory_space<vmem>>, vector<200x128xf32>
    %get3A_5 = arith.constant 0 : index
    %get3A_6 = arith.constant 0 : index
    %get3A_7 = vector.load %arg5[%get3A_5, %get3A_6] : memref<10000x128xf32, #tpu.memory_space<vmem>>, vector<10000x128xf32>
    %dot_general3A = arith.constant dense<0.000000e+00> : vector<200x10000xf32>
    %dot_general3A_8 = tpu.matmul %get3A_4, %get3A_7, %dot_general3A {dimension_numbers = #tpu.dot_dimension_numbers<[1], [1], [0], [0], [0, 0, 1, 0], [], []>, transpose_lhs_hint = false} : vector<200x128xf32>, vector<10000x128xf32>, vector<200x10000xf32> -> vector<200x10000xf32>
    %swap3A = arith.constant 0 : index
    %swap3A_9 = arith.constant 0 : index
    %swap3A_10 = vector.load %arg4[%swap3A, %swap3A_9] : memref<200x10000xf32, #tpu.memory_space<vmem>>, vector<200x10000xf32>
    tpu.vector_store %arg4[%swap3A, %swap3A_9], %dot_general3A_8 {strides = array<i32>} : memref<200x10000xf32, #tpu.memory_space<vmem>>, vector<200x10000xf32>,
    return
  }
  func.func @transform_0(%arg0: i32) -> (i32, i32, i32) {
    %c0_i32 = arith.constant 0 : i32
    %c0_i32_0 = arith.constant 0 : i32
    %c0_i32_1 = arith.constant 0 : i32
    %c0_i32_2 = arith.constant 0 : i32
    return %c0_i32, %c0_i32_0, %c0_i32_1 : i32, i32, i32
  }
  func.func @transform_1(%arg0: i32) -> (i32, i32) {
    %c0_i32 = arith.constant 0 : i32
    %c0_i32_0 = arith.constant 0 : i32
    %c0_i32_1 = arith.constant 0 : i32
    return %c0_i32, %c0_i32_0 : i32, i32
  }
  func.func @transform_2(%arg0: i32) -> (i32, i32) {
    %c0_i32 = arith.constant 0 : i32
    %c0_i32_0 = arith.constant 0 : i32
    %c0_i32_1 = arith.constant 0 : i32
    return %c0_i32, %c0_i32_0 : i32, i32
  }
  func.func @transform_3(%arg0: i32) -> (i32, i32) {
    %c0_i32 = arith.constant 0 : i32
    %c0_i32_0 = arith.constant 0 : i32
    return %arg0, %c0_i32 : i32, i32
  }
}

</mosaic_0001>

<sc_bundles>
// kernel: kernel.5.cloned.1.call-start
scs
__scs_entry_jumppad:
0x0: {  	(pc) =	sbr.rel $0x88, $3  }
0x1: {  	(tag) =	ssettag $0x0;
	lr =	simm.s32 $0x1  }
0x2: {  	[smem:$0x3F9A] =	sst lr;
	_ =	strace $0xD0000000  }
0x3: {  	_ = 	snop  }
0x4: {  	_ = 	snop  }
0x5: {  	_ = 	snop  }
0x6: {  	_ = 	snop  }
0x7: {  	_ = 	snop  }
__scs_overlays_trampoline_lowered:
0x8: {  	[smem:$0x3FA9] =	sst s0  }
0x9: {  	[smem:$0x3FAA] =	sst s1  }
0xa: {  	[smem:$0x3FAB] =	sst s2  }
0xb: {  	[smem:$0x3FAC] =	sst s3  }
0xc: {  	[smem:$0x3FAD] =	sst s4  }
0xd: {  	[smem:$0x3FAE] =	sst s5  }
0xe: {  	[smem:$0x3FAF] =	sst s6  }
0xf: {  	[smem:$0x3FB0] =	sst s7  }
0x10: {  	[smem:$0x3FB1] =	sst s8  }
0x11: {  	[smem:$0x3FB2] =	sst s9;
	s0 =	simm.s32 @!p0 $0x0  }
0x12: {  	s1 =	sld [smem:$0x3F98];
	s0 =	simm.s32 @p0 $0x1  }
0x13: {  	[smem:$0x3FB3] =	sst s0;
	s0 =	simm.s32 @!p1 $0x0  }
0x14: {  	s2 =	sld [smem:$0x3F97];
	s0 =	simm.s32 @p1 $0x1  }
0x15: {  	[smem:$0x3FB4] =	sst s0;
	s0 =	simm.s32 @!p2 $0x0  }
0x16: {  	s3 =	sld [smem:$0x3FDB];
	s0 =	simm.s32 @p2 $0x1  }
0x17: {  	s4 =	simm.s32 $0x1BF5;
	[smem:$0x3FB6] =	sst s0  }
0x18: {  	s0 =	sld [smem:$0x3F99];
	_ =	swait.ge [sflag:s4], $0x0  }
0x19: {  	s7 =	sld [smem:$0x3F9A]  }
0x1a: {  	s8 =	sadd.s32 $0xFFFFE003, lr  }
0x1b: {  	s9 =	sadd.s32 $0xFFFFFEF7, lr;
	s5 =	simm.s32 $0xFFFFFFFF;
	p2 =	slt.u32 s8, $0xFFFFF086  }
0x1c: {  	p1 =	slt.u32 s9, $0xF7A;
	s5 =	simm.s32 @!p2 $0x0  }
0x1d: {  	s5 =	simm.s32 @p1 $0x1;
	p0 =	seq.s32 s7, s2  }
0x1e: {  	s7 =	smul.u32 @!p0 $0xF7A, s2;
	p2 =	seq.s32 @!p0 s5, $0x0  }
0x1f: {  	s9 =	smul.u32 $0xF7A, s1;
	s8 =	simm.s32 @!p0 $0x1BF5;
	p2 =	por !p2, p0  }
0x20: {  	[sflag:s8] =	ssyncset.s32 @!p0 $0xFFFFF086;
	s6 =	sadd.s32 @!p0 s3, s7;
	s7 =	simm.s32 @!p0 $0x108  }
0x21: {  	s3 =	sadd.s32 s3, s9;
	s6 =	sadd.s32 @!p0 $0x88, s6;
	s7 =	simm.s32 @p2 $0x1082  }
0x22: {  	[simem:s7], [sflag:s8] =	dma.local @!p0 [hbm:s6], $0xF7A  }
0x23: {  	s9 =	sor.u32 $0xD0000000, s2;
	s6 =	simm.s32 $0x108;
	_ =	swait.ge @!p0 [sflag:s8], $0x0  }
0x24: {  	s3 =	sadd.s32 $0x88, s3;
	s6 =	simm.s32 @!p1 $0x1082;
	[sflag:s4] =	ssyncset.s32 $0xFFFFF086  }
0x25: {  	[simem:s6], [sflag:s4] =	dma.local [hbm:s3], $0xF7A  }
0x26: {  	[smem:$0x3F9A] =	sst s1;
	(tag) =	ssettag s2;
	_ =	strace s9  }
0x27: {  	s1 =	sld [smem:$0x3FAA]  }
0x28: {  	s2 =	sld [smem:$0x3FAB]  }
0x29: {  	s4 =	sld [smem:$0x3FAD]  }
0x2a: {  	p0 =	seq.s32 s5, $0x0;
	s5 =	sld [smem:$0x3FAE]  }
0x2b: {  	s6 =	sld [smem:$0x3FAF]  }
0x2c: {  	s7 =	sld [smem:$0x3FB0]  }
0x2d: {  	s3 =	simm.s32 $0x108;
	s8 =	sld [smem:$0x3FB1]  }
0x2e: {  	s3 =	simm.s32 @!p0 $0x1082;
	s9 =	sld [smem:$0x3FB2]  }
0x2f: {  	lr =	sadd.s32 s0, s3;
	s0 =	sld [smem:$0x3FA9]  }
0x30: {  	s3 =	sld [smem:$0x3FAC]  }
0x31: {  	[smem:$0x3FB5] =	sst s10  }
0x32: {  	s10 =	sld [smem:$0x3FB3];
	_ =	sdelay $0x3  }
0x33: {  	p0 =	seq.s32 s10, $0x1;
	s10 =	sld [smem:$0x3FB5];
	_ =	sdelay $0x3  }
0x34: {  	[smem:$0x3FB5] =	sst s10  }
0x35: {  	s10 =	sld [smem:$0x3FB4];
	_ =	sdelay $0x3  }
0x36: {  	p1 =	seq.s32 s10, $0x1;
	s10 =	sld [smem:$0x3FB5];
	_ =	sdelay $0x3  }
0x37: {  	[smem:$0x3FB5] =	sst s10  }
0x38: {  	s10 =	sld [smem:$0x3FB6]  }
0x39: {  	_ = 	snop;
	(pc) =	sbr.ind lr, $3  }
0x3a: {  	_ = 	snop  }
0x3b: {  	_ = 	snop  }
0x3c: {  	p2 =	seq.s32 s10, $0x1;
	s10 =	sld [smem:$0x3FB5]  }
0x3d: {  	_ =	shalt  }
0x3e: {  	_ =	shalt  }
0x3f: {  	_ =	shalt  }
0x40: {  	_ =	shalt  }
0x41: {  	_ =	shalt  }
0x42: {  	_ =	shalt  }
0x43: {  	_ =	shalt  }
0x44: {  	_ =	shalt  }
0x45: {  	_ =	shalt  }
0x46: {  	_ =	shalt  }
0x47: {  	_ =	shalt  }
0x48: {  	_ =	shalt  }
0x49: {  	_ =	shalt  }
0x4a: {  	_ =	shalt  }
0x4b: {  	_ =	shalt  }
0x4c: {  	_ =	shalt  }
0x4d: {  	_ =	shalt  }
0x4e: {  	_ =	shalt  }
0x4f: {  	_ =	shalt  }
0x50: {  	_ =	shalt  }
0x51: {  	_ =	shalt  }
0x52: {  	_ =	shalt  }
0x53: {  	_ =	shalt  }
0x54: {  	_ =	shalt  }
0x55: {  	_ =	shalt  }
0x56: {  	_ =	shalt  }
0x57: {  	_ =	shalt  }
0x58: {  	_ =	shalt  }
0x59: {  	_ =	shalt  }
0x5a: {  	_ =	shalt  }
0x5b: {  	_ =	shalt  }
0x5c: {  	_ =	shalt  }
0x5d: {  	_ =	shalt  }
0x5e: {  	_ =	shalt  }
0x5f: {  	_ =	shalt  }
0x60: {  	_ =	shalt  }
0x61: {  	_ =	shalt  }
0x62: {  	_ =	shalt  }
0x63: {  	_ =	shalt  }
0x64: {  	_ =	shalt  }
0x65: {  	_ =	shalt  }
0x66: {  	_ =	shalt  }
0x67: {  	_ =	shalt  }
0x68: {  	_ =	shalt  }
0x69: {  	_ =	shalt  }
0x6a: {  	_ =	shalt  }
0x6b: {  	_ =	shalt  }
0x6c: {  	_ =	shalt  }
0x6d: {  	_ =	shalt  }
0x6e: {  	_ =	shalt  }
0x6f: {  	_ =	shalt  }
0x70: {  	_ =	shalt  }
0x71: {  	_ =	shalt  }
0x72: {  	_ =	shalt  }
0x73: {  	_ =	shalt  }
0x74: {  	_ =	shalt  }
0x75: {  	_ =	shalt  }
0x76: {  	_ =	shalt  }
0x77: {  	_ =	shalt  }
0x78: {  	_ =	shalt  }
0x79: {  	_ =	shalt  }
0x7a: {  	_ =	shalt  }
0x7b: {  	_ =	shalt  }
0x7c: {  	_ =	shalt  }
0x7d: {  	_ =	shalt  }
0x7e: {  	_ =	shalt  }
0x7f: {  	_ =	shalt  }
0x80: {  	_ =	shalt  }
0x81: {  	_ =	shalt  }
0x82: {  	_ =	shalt  }
0x83: {  	_ =	shalt  }
0x84: {  	_ =	shalt  }
0x85: {  	_ =	shalt  }
0x86: {  	_ =	shalt  }
0x87: {  	_ =	shalt  }
.Lfunc_end0:
.L_simem_size_0:
called_computation_lowered:
.L_overlay_start_0:
0x88: {  	s2 =	sld [smem:$0x3FD9]  }
0x89: {  	s3 =	sld [smem:$0x3FFE];
	_ =	sdelay $0x1  }
0x8a: {  	s1 =	srdreg.scid  }
0x8b: {  	s0 =	sand.u32 $0x1, s1  }
0x8c: {  	s17 =	sshll.u32 s0, $0xA;
	s2 =	sadd.s32 s3, s2  }
0x8d: {  	s2 =	sadd.s32 s2, s17  }
0x8e: {  	[smem:$0x3FC1] =	sst s2  }
0x8f: {  	_ = 	snop  }
0x90: {  	s2 =	sld [smem:$0x3FD0];
	(tm) =	ssettm $0x1  }
0x91: {  	s18 =	sld [smem:$0x3FFB];
	_ =	sdelay $0x3  }
0x92: {  	_ =	strace s18  }
0x93: {  	s3 =	sld [smem:$0x3FFC];
	_ =	sdelay $0x3  }
0x94: {  	_ =	strace s3  }
0x95: {  	s3 =	sld [smem:$0x3FFD];
	_ =	sdelay $0x3  }
0x96: {  	_ =	strace s3  }
0x97: {  	_ =	strace $0x8FFFFFFF  }
0x98: {  	s19 =	sld [smem:$0x3FDB];
	_ =	sdelay $0x1  }
0x99: {  	s4 =	simm.s32 $_scs_section_size  }
0x9a: {  	s5 =	simm.s32 $_size__tile_overlayer_lowered;
	s6 =	simm.s32 $_tile_overlayer_lowered  }
0x9b: {  	s22 =	simm.s32 $0x1BFF;
	s21 =	sshll.u32 s6, $0x1;
	s3 =	sadd.s32 s4, s19  }
0x9c: {  	s7 =	simm.s32 $0x0;
	s20 =	sshll.u32 s5, $0x1;
	s5 =	sadd.s32 s21, s3  }
0x9d: {  	[timem:s7], [sflag:s22] =	dma.local [hbm:s5], s20  }
0x9e: {  	_ =	swait.ge [sflag:s22], s20  }
0x9f: {  	s4 =	ssub.s32 $0x0, s20;
	[sflag:s22] =	ssyncset.done $0x0  }
0xa0: {  	[sflag:s22] =	ssyncadd.s32 s4;
	_ =	sdelay $0x1  }
0xa1: {  	s23 =	simm.s32 $0x1B8B  }
0xa2: {  	_ =	swait.ge [sflag:s23], $0x1  }
0xa3: {  	[sflag:s23] =	ssyncset.done $0x0  }
0xa4: {  	s25 =	simm.s32 $0x1B8E;
	s24 =	sld [smem:$0x3FFE];
	[sflag:s23] =	ssyncadd.s32 $0xFFFFFFFF  }
0xa5: {  	s26 =	simm.s32 $execute0_lowered;
	[smem:$0x3FD2] =	sst s25  }
0xa6: {  	s5 =	sshll.u32 s26, $0x1;
	_ =	strace $0x80000046;
	[dreg:$0x1] =	wrdreg $0xFFFFFFFF  }
0xa7: {  	s28 =	simm.s32 $_size_execute0_lowered;
	s3 =	sadd.s32 s3, s5;
	[dreg:$0x0] =	wrdreg $0x0  }
0xa8: {  	s5 =	sshll.u32 s28, $0x1;
	[dreg:$0x2] =	wrdreg s3  }
0xa9: {  	[dreg:$0x3] =	wrdreg s5  }
0xaa: {  	[dreg:$0x4] =	wrdreg $0xC0  }
0xab: {  	_ =	task [dreg:s7], $0x5FFFF  }
0xac: {  	[dreg:$0x1] =	wrdreg $0xFFFFFFFF  }
0xad: {  	[dreg:$0x0] =	wrdreg $0x60  }
0xae: {  	[dreg:$0x2] =	wrdreg s24  }
0xaf: {  	[dreg:$0x3] =	wrdreg s2  }
0xb0: {  	[dreg:$0x4] =	wrdreg $0xB7800  }
0xb1: {  	[dreg:$0x5] =	wrdreg $0x9  }
0xb2: {  	_ =	task.clear_ibuf [dreg:s7], $0x6FFFF;
	_ =	strace $0x90000046  }
0xb3: {  	s29 =	simm.s32 $0x9;
	_ =	strace $0x80000048  }
0xb4: {  	_ =	swait.ge [sflag:s29], $0x1  }
0xb5: {  	[sflag:s29] =	ssyncadd.s32 $0xFFFFFFFF  }
0xb6: {  	_ =	strace $0x90000048  }
0xb7: {  	_ =	sfence  }
0xb8: {  	s30 =	sld [smem:$0x0];
	_ =	sdelay $0x2  }
0xb9: {  	s31 =	sshll.u32 s1, $0xD;
	s1 =	sshrl.u32 s1, $0x2  }
0xba: {  	s3 =	sand.u32 $0x4000, s31;
	s1 =	sadd.s32 s1, s30  }
0xbb: {  	s0 =	sor.u32 s3, s0;
	s1 =	sshll.u32 s1, $0x11  }
0xbc: {  	s0 =	sor.u32 s1, s0  }
0xbd: {  	s0 =	sadd.s32 $0x8F2B, s0  }
0xbe: {  	[sflag:s0] =	ssyncadd.remote.s32 $0x1  }
0xbf: {  	_ =	sfence.sel $0xFFFF  }
0xc0: {  	[dreg:$0x0] =	wrdreg $0xFFFFFFFF;
	(pc) =	sbr.abs _section_cstart, $3  }
0xc1: {  	[dreg:$0x1] =	wrdreg $0xFFFFFFFF  }
0xc2: {  	_ =	task.clear_ibuf [dreg:s7], $0x2FFFF;
	_ =	strace $0x9FFFFFFF  }
0xc3: {  	(tm) =	ssettm $0x7FFFFFFF  }
tec
execute0_lowered:
.L_overlay_start_1:
0x0: {  	(tag) =	ssettag $0x1  }
0x1: {  	s1 =	srdreg.scid;
	s7 =	rddreg [dreg:$0x0]  }
0x2: {  	s0 =	stileid.u32;
	s10 =	rddreg [dreg:$0x1]  }
0x3: {  	s14 =	simm.s32 $0x3;
	s15 =	simm.s32 $0x50;
	s16 =	simm.s32 $0x6780  }
0x4: {  	s17 =	simm.s32 $0x8F80;
	s21 =	simm.s32 $0x2780;
	s22 =	simm.s32 $0x1  }
0x5: {  	s23 =	simm.s32 $0x2;
	s24 =	simm.s32 $0x6480;
	s28 =	simm.s32 $0x6580  }
0x6: {  	s29 =	simm.s32 $0x0;
	s1 =	sand.u32 $0x1, s1;
	s8 =	smul.u32 $0x13800, s0  }
0x7: {  	s2 =	sshll.u32 s0, $0x1;
	s25 =	sshrl.u32 s0, $0x2;
	s11 =	smul.u32 $0x4E000, s0  }
0x8: {  	p0 =	sne.s32 s0, $0xF;
	s31 =	sshll.u32 s0, $0x6;
	s5 =	sor.u32 s1, s2  }
0x9: {  	s4 =	smul.u32 $0x13C00, s25;
	s2 =	rddreg [dreg:$0x2];
	s26 =	ssub.s32 $0x2, s1  }
0xa: {  	s1 =	smul.u32 $0x138800, s1;
	s18 =	sor.u32 $0x1C03, s31;
	s25 =	simm.s32 $0x26C0  }
0xb: {  	s3 =	sshll.u32 s5, $0x7;
	s5 =	sshll.u32 s5, $0xB;
	s9 =	sshrl.u32 s8, $0x3  }
0xc: {  	s13 =	sshrl.u32 s26, $0x1;
	s11 =	sshrl.u32 s11, $0x2;
	s20 =	sadd.s32 $0x138000, s2  }
0xd: {  	s6 =	sand.u32 $0x380, s3;
	s3 =	simm.s32 $0x0;
	s12 =	sadd.s32 s5, s7  }
0xe: {  	s9 =	sadd.s32 s9, s7;
	s13 =	ssub.s32 s26, s13;
	s19 =	sadd.s32 s11, s2  }
0xf: {  	s8 =	sadd.s32 s8, s1;
	s1 =	sshrl.u32 s1, $0x3;
	s20 =	sshrl.u32 @!p0 s20, $0x3  }
0x10: {  	s26 =	simm.s32 $0x6500;
	s4 =	sor.u32 s4, s6;
	[smem:$0x7FF] =	sst s3  }
0x11: {  	s30 =	sshrl.u32 s8, $0x3;
	s8 =	sadd.s32 $0xA00, s12;
	s1 =	sadd.s32 s10, s1  }
0x12: {  	s11 =	smax.u32 s13, $0x1;
	s13 =	simm.s32 $0x400;
	s6 =	sshrl.u32 s4, $0x3  }
0x13: {  	s19 =	sshrl.u32 s19, $0x3;
	_ =	strace $0x80000047;
	s6 =	sadd.s32 s6, s7  }
0x14: {  	s4 =	sadd.s32 $0x1A800, s7;
	s7 =	sadd.s32 $0x68A00, s7;
	s5 =	sadd.s32 $0x10A00, s6  }
0x15: {  	s6 =	sadd.s32 $0x41A00, s9;
	s9 =	sadd.s32 s10, s30;
	s10 =	sadd.s32 $0x27000, s1  }
.LBB2_1:
0x16: {  	s0 =	simm.s32 $0x80  }
0x17: {  	[tilespmem:s3], [sflag:$0x3] =	stream.strided.gather [hbm4b:s5+s0], $0x2780, s13, s0, $0x38;
	[tilespmem:$0x1F000] =	vst v63  }
0x18: {  	_ =	swait.ge [sflag:s14], $0x2780  }
0x19: {  	[sflag:s14] =	ssyncset.done $0x0  }
0x1a: {  	[sflag:s14] =	ssyncadd.s32 $0xFFFFD880  }
0x1b: {  	[tilespmem:s16], [sflag:$0x1] =	stream.indirect.gather [hbm4b:s4+s15], $0x80, s3, s15, $0xb8;
	[tilespmem:$0x1F000] =	vst v63  }
0x1c: {  	_ = 	snop  }
0x1d: {  	[tilespmem:s17], [sflag:$0x2] =	stream.indirect.gather [hbm4b:s4+s15], $0x80, s15, s15, $0xb8;
	[tilespmem:$0x1F000] =	vst v63  }
0x1e: {  	[spmem:s19], [sflag:s18] =	dma.local [hbm:s6], $0x2700  }
0x1f: {  	_ =	swait.ge [sflag:s14], $0x2700  }
0x20: {  	[sflag:s14] =	ssyncset.done $0x0  }
0x21: {  	s1 =	simm.s32 @!p0 $0x3;
	[sflag:s14] =	ssyncadd.s32 $0xFFFFD900  }
0x22: {  	[spmem:s20], [sflag:s18] =	dma.local @!p0 [hbm:s7], $0x100  }
0x23: {  	_ =	swait.ge @!p0 [sflag:s1], $0x100  }
0x24: {  	[sflag:s1] =	ssyncset.done @!p0 $0x0  }
0x25: {  	[sflag:s1] =	ssyncadd.s32 @!p0 $0xFFFFFF00  }
0x26: {  	[tilespmem:s21], [sflag:$0x3] =	stream.linear.gather [hbm4b:s8+s3], $0x3E80, $0x38;
	[tilespmem:$0x1F000] =	vst v63  }
0x27: {  	_ =	swait.ge [sflag:s14], $0x3E80  }
0x28: {  	[sflag:s14] =	ssyncset.done $0x0  }
0x29: {  	[sflag:s14] =	ssyncadd.s32 $0xFFFFC180  }
0x2a: {  	[bflag:$0x0] =	sbarrier.arrive $0xFFFF  }
0x2b: {  	_ =	swait.ge [sflag:s22], $0x2800  }
0x2c: {  	[sflag:s22] =	ssyncset.done $0x0  }
0x2d: {  	s12 =	simm.s32 $0x2780;
	[sflag:s22] =	ssyncadd.s32 $0xFFFFD800  }
0x2e: {  	[spmem:s2] =	stream.indirect.scatter.add.f32 [tilespmem:s16], [sflag:$0x3], $0x80, s12, s15, $0xb8;
	[tilespmem:$0x1F000] =	vst v63  }
0x2f: {  	_ =	swait.ge [sflag:s14], $0x2800  }
0x30: {  	[sflag:s14] =	ssyncset.done $0x0  }
0x31: {  	s0 =	simm.s32 $0xA0;
	[sflag:s14] =	ssyncadd.s32 $0xFFFFD800  }
0x32: {  	[tilespmem:s16], [sflag:$0x1] =	stream.indirect.gather [hbm4b:s4+s15], $0x80, s0, s15, $0xb8;
	[tilespmem:$0x1F000] =	vst v63  }
0x33: {  	_ =	swait.ge [sflag:s23], $0x2800  }
0x34: {  	[sflag:s23] =	ssyncset.done $0x0  }
0x35: {  	s12 =	simm.s32 $0x2800;
	[sflag:s23] =	ssyncadd.s32 $0xFFFFD800  }
0x36: {  	[spmem:s2] =	stream.indirect.scatter.add.f32 [tilespmem:s17], [sflag:$0x3], $0x80, s12, s15, $0xb8;
	[tilespmem:$0x1F000] =	vst v63  }
0x37: {  	_ =	swait.ge [sflag:s14], $0x2800  }
0x38: {  	s30 =	simm.s32 $0xF0;
	[sflag:s14] =	ssyncset.done $0x0  }
0x39: {  	s31 =	simm.s32 $0x400;
	s1 =	simm.s32 $0x190;
	[sflag:s14] =	ssyncadd.s32 $0xFFFFD800  }
.LBB2_2:
0x3a: {  	[tilespmem:s17], [sflag:$0x2] =	stream.indirect.gather [hbm4b:s4+s15], $0x80, s30, s15, $0xb8;
	[tilespmem:$0x1F000] =	vst v63  }
0x3b: {  	s0 =	smov.u32 s31;
	s30 =	smov.u32 s1  }
0x3c: {  	p1 =	sne.s32 s31, $0xF000;
	s31 =	sadd.s32 $0x400, s31;
	_ =	swait.ge [sflag:s22], $0x2800  }
0x3d: {  	s0 =	sshra.s32 s0, $0x2;
	[sflag:s22] =	ssyncset.done $0x0  }
0x3e: {  	s12 =	sadd.s32 $0x2780, s0;
	[sflag:s22] =	ssyncadd.s32 $0xFFFFD800  }
0x3f: {  	[spmem:s2] =	stream.indirect.scatter.add.f32 [tilespmem:s16], [sflag:$0x3], $0x80, s12, s15, $0xb8;
	[tilespmem:$0x1F000] =	vst v63  }
0x40: {  	_ =	swait.ge [sflag:s14], $0x2800  }
0x41: {  	[sflag:s14] =	ssyncset.done $0x0  }
0x42: {  	s12 =	sadd.s32 $0xFFFFFFB0, s1;
	[sflag:s14] =	ssyncadd.s32 $0xFFFFD800  }
0x43: {  	[tilespmem:s16], [sflag:$0x1] =	stream.indirect.gather [hbm4b:s4+s15], $0x80, s12, s15, $0xb8;
	[tilespmem:$0x1F000] =	vst v63  }
0x44: {  	_ =	swait.ge [sflag:s23], $0x2800  }
0x45: {  	[sflag:s23] =	ssyncset.done $0x0  }
.Ltmp0:
0x46: {  	s0 =	sadd.s32 $0x2800, s0;
	[sflag:s23] =	ssyncadd.s32 $0xFFFFD800;
	(pc) =	sbr.rel @p1 .LBB2_2-.Ltmp0, $4  }
0x47: {  	[spmem:s2] =	stream.indirect.scatter.add.f32 [tilespmem:s17], [sflag:$0x3], $0x80, s0, s15, $0xb8;
	[tilespmem:$0x1F000] =	vst v63  }
0x48: {  	_ =	swait.ge [sflag:s14], $0x2800  }
0x49: {  	[sflag:s14] =	ssyncset.done $0x0  }
0x4a: {  	s1 =	sadd.s32 $0xA0, s1;
	[sflag:s14] =	ssyncadd.s32 $0xFFFFD800  }
0x4b: {  	[tilespmem:s17], [sflag:$0x2] =	stream.indirect.gather [hbm4b:s4+s15], $0x80, s30, s15, $0xb8;
	[tilespmem:$0x1F000] =	vst v63  }
0x4c: {  	_ =	swait.ge [sflag:s22], $0x2800  }
0x4d: {  	[sflag:s22] =	ssyncset.done $0x0  }
0x4e: {  	[sflag:s22] =	ssyncadd.s32 $0xFFFFD800  }
0x4f: {  	[spmem:s2] =	stream.indirect.scatter.add.f32 [tilespmem:s16], [sflag:$0x3], $0x80, s24, s15, $0xb8;
	[tilespmem:$0x1F000] =	vst v63  }
0x50: {  	_ =	swait.ge [sflag:s14], $0x2800  }
0x51: {  	[sflag:s14] =	ssyncset.done $0x0  }
0x52: {  	[sflag:s14] =	ssyncadd.s32 $0xFFFFD800  }
0x53: {  	[tilespmem:s16], [sflag:$0x1] =	stream.indirect.gather [hbm4b:s4+s15], $0x80, s25, s15, $0xb8;
	[tilespmem:$0x1F000] =	vst v63  }
0x54: {  	_ =	swait.ge [sflag:s23], $0x2800  }
0x55: {  	[sflag:s23] =	ssyncset.done $0x0  }
0x56: {  	[sflag:s23] =	ssyncadd.s32 $0xFFFFD800  }
0x57: {  	[spmem:s2] =	stream.indirect.scatter.add.f32 [tilespmem:s17], [sflag:$0x3], $0x80, s26, s15, $0xb8;
	[tilespmem:$0x1F000] =	vst v63  }
0x58: {  	_ =	swait.ge [sflag:s14], $0x2800  }
0x59: {  	[sflag:s14] =	ssyncset.done $0x0  }
0x5a: {  	[sflag:s14] =	ssyncadd.s32 $0xFFFFD800  }
0x5b: {  	_ =	swait.ge [sflag:s22], $0x2800  }
0x5c: {  	[sflag:s22] =	ssyncset.done $0x0  }
0x5d: {  	[sflag:s22] =	ssyncadd.s32 $0xFFFFD800  }
0x5e: {  	[spmem:s2] =	stream.indirect.scatter.add.f32 [tilespmem:s16], [sflag:$0x3], $0x80, s28, s15, $0xb8;
	[tilespmem:$0x1F000] =	vst v63  }
0x5f: {  	_ =	swait.ge [sflag:s14], $0x2800  }
0x60: {  	[sflag:s14] =	ssyncset.done $0x0  }
0x61: {  	[sflag:s14] =	ssyncadd.s32 $0xFFFFD800  }
0x62: {  	[bflag:$0x0] =	sbarrier.arrive $0xFFFF  }
0x63: {  	[hbm:s9], [sflag:s18] =	dma.local [spmem:s19], $0x2700  }
0x64: {  	s29 =	sadd.s32 $0x1, s29;
	_ =	swait.ge [sflag:s14], $0x2700  }
0x65: {  	p1 =	sne.s32 s29, s11;
	[sflag:s14] =	ssyncset.done $0x0  }
.Ltmp1:
0x66: {  	s0 =	simm.s32 @!p0 $0x3;
	[sflag:s14] =	ssyncadd.s32 $0xFFFFD900;
	(pc) =	sbr.rel @p1 .LBB2_1-.Ltmp1, $4  }
0x67: {  	[hbm:s10], [sflag:s18] =	dma.local @!p0 [spmem:s20], $0x100  }
0x68: {  	_ =	swait.ge @!p0 [sflag:s0], $0x100  }
0x69: {  	[sflag:s0] =	ssyncset.done @!p0 $0x0  }
0x6a: {  	[sflag:s0] =	ssyncadd.s32 @!p0 $0xFFFFFF00  }
0x6b: {  	_ =	sfence.sel $0x180000  }
0x6c: {  	[bflag:$0x0] =	sbarrier.arrive $0xFFFF  }
0x6d: {  	_ =	strace $0x90000047  }
0x6e: {  	s0 =	stileid.u32;
	[bflag:$0x2] =	sbarrier.arrive $0xFFFF  }
0x6f: {  	p0 =	sne.s32 s0, $0x0;
	s0 =	rddreg [dreg:$0x3]  }
0x70: {  	s0 =	sadd.s32 @!p0 $0x100000, s0  }
0x71: {  	[sflag:s0] =	ssyncadd.tile.s32 @!p0 $0x1;
	_ =	shalt  }
.Lfunc_end2:
_tile_overlayer_lowered:
.L_overlay_start_2:
0x72: {  	(tag) =	ssettag $0x2  }
0x73: {  	s0 =	rddreg [dreg:$0x0];
	s2 =	stileid.u32  }
0x74: {  	s1 =	rddreg [dreg:$0x1];
	p0 =	sne.s32 s2, $0x0  }
0x75: {  	s3 =	rddreg [dreg:$0x2];
	[bflag:$0x3] =	sbarrier.arrive $0xFFFF;
	s2 =	simm.s32 @!p0 $0x1C03  }
0x76: {  	[timem:s3], [sflag:s2] =	dma.local @!p0 [hbm:s0], s1  }
0x77: {  	s0 =	simm.s32 @!p0 $0x3  }
0x78: {  	_ =	swait.ge @!p0 [sflag:s0], s1  }
0x79: {  	s1 =	ssub.s32 @!p0 $0x0, s1;
	[sflag:s0] =	ssyncset.done @!p0 $0x0  }
0x7a: {  	[sflag:s0] =	ssyncadd.s32 @!p0 s1  }
0x7b: {  	[bflag:$0x3] =	sbarrier.arrive $0xFFFF  }
0x7c: {  	_ =	shalt  }

</sc_bundles>
